<compile_context>
chip_gen: v7x
topology: tpu7x:2x2x1
jax: 0.10.2.dev20260603
libtpu: 0.0.44.dev20260713+nightly
codegen_flags: <defaults>
</compile_context>

<pallas_src>
import jax
import jax.numpy as jnp
from jax import lax
from jax.experimental import pallas as pl
from jax.experimental.pallas import tpu as pltpu
from jax.experimental.pallas import tpu_sc as plsc

_N, _F, _T = 8192, 2048, 4
_NC, _NS, _L = 2, 16, 16
_NW = _NC * _NS
_RPW = _N // _NW
_ROWS = 8
_NCHUNK = _RPW // _ROWS
_CB = _F // _L


def _sc_body(x_hbm, alpha_hbm, logits_hbm, out_hbm,
             lg, av, cf, xb0, xb1, ob0, ob1, is0, is1, os0, os1):
    wid = lax.axis_index("s") * _NC + lax.axis_index("c")
    row0 = wid * _RPW

    pltpu.async_copy(x_hbm.at[pl.ds(row0, _ROWS)], xb0, is0)

    pltpu.sync_copy(logits_hbm, lg)
    pltpu.sync_copy(alpha_hbm, av)

    def coef_body(cb, carry):
        sl = pl.ds(cb * _L, _L)
        l0, l1, l2, l3 = lg[0, sl], lg[1, sl], lg[2, sl], lg[3, sl]
        m = jnp.maximum(jnp.maximum(l0, l1), jnp.maximum(l2, l3))
        e0 = jnp.exp(l0 - m)
        e1 = jnp.exp(l1 - m)
        e2 = jnp.exp(l2 - m)
        e3 = jnp.exp(l3 - m)
        r = av[sl] / (e0 + e1 + e2 + e3)
        cf[0, sl] = e0 * r
        cf[1, sl] = e1 * r
        cf[2, sl] = e2 * r
        cf[3, sl] = e3 * r
        return carry

    lax.fori_loop(0, _CB, coef_body, 0)

    def _in_slice(k):
        return x_hbm.at[pl.ds(row0 + k * _ROWS, _ROWS)]

    def _out_slice(k):
        return out_hbm.at[pl.ds(row0 + k * _ROWS, _ROWS)]

    def compute(xbuf, obuf):
        @plsc.parallel_loop(0, _CB, step=1, unroll=1)
        def cb_body(cb):
            sl = pl.ds(cb * _L, _L)
            c0, c1, cq, cs = cf[0, sl], cf[1, sl], cf[2, sl], cf[3, sl]
            for r in range(_ROWS):
                x = xbuf[r, sl]
                u = jnp.minimum(jnp.exp(-x), 1e9)
                u2 = u * u
                a1 = 1.0 + u
                a2 = 1.0 + u2
                d = 1.0 / (a1 * a2)
                num = c1 * a1 * (1.0 - u2) + cs * a2
                obuf[r, sl] = x * (c0 + cq * x) + num * d

    def pair_body(p, carry):
        k0 = 2 * p
        k1 = k0 + 1
        pltpu.async_copy(_in_slice(k1), xb1, is1)
        pltpu.make_async_copy(_in_slice(k0), xb0, is0).wait()

        @pl.when(p >= 1)
        def _():
            pltpu.make_async_copy(ob0, _out_slice(k0 - 2), os0).wait()

        compute(xb0, ob0)
        pltpu.async_copy(ob0, _out_slice(k0), os0)

        @pl.when(p + 1 < _NCHUNK // 2)
        def _():
            pltpu.async_copy(_in_slice(k0 + 2), xb0, is0)

        pltpu.make_async_copy(_in_slice(k1), xb1, is1).wait()

        @pl.when(p >= 1)
        def _():
            pltpu.make_async_copy(ob1, _out_slice(k1 - 2), os1).wait()

        compute(xb1, ob1)
        pltpu.async_copy(ob1, _out_slice(k1), os1)
        return carry

    lax.fori_loop(0, _NCHUNK // 2, pair_body, 0)
    pltpu.make_async_copy(ob0, _out_slice(_NCHUNK - 2), os0).wait()
    pltpu.make_async_copy(ob1, _out_slice(_NCHUNK - 1), os1).wait()


def kernel(X, alpha, tf_prob_logits):
    n, f = X.shape
    logits_t = tf_prob_logits.T

    mesh = plsc.VectorSubcoreMesh(core_axis_name="c", subcore_axis_name="s")
    run = pl.kernel(
        _sc_body,
        mesh=mesh,
        out_type=jax.ShapeDtypeStruct((n, f), X.dtype),
        scratch_types=[
            pltpu.VMEM((_T, _F), jnp.float32),
            pltpu.VMEM((_F,), jnp.float32),
            pltpu.VMEM((_T, _F), jnp.float32),
            pltpu.VMEM((_ROWS, _F), jnp.float32),
            pltpu.VMEM((_ROWS, _F), jnp.float32),
            pltpu.VMEM((_ROWS, _F), jnp.float32),
            pltpu.VMEM((_ROWS, _F), jnp.float32),
            pltpu.SemaphoreType.DMA,
            pltpu.SemaphoreType.DMA,
            pltpu.SemaphoreType.DMA,
            pltpu.SemaphoreType.DMA,
        ],
    )
    return run(X, alpha, logits_t)

# --- scband reference (transcript-rebuilt; emitter-appended) ---
"""Pipeline reference for scband-transformer-42992622632971 (READ-ONLY COPY).

The authoritative reference and input builder live on the scoring server;
editing this copy changes nothing except your own understanding.
"""

import jax, jax.numpy as jnp
import numpy as np

# tf_options = [identity, tanh, square, sigmoid] -- differentiable stand-ins for the
# sklearn-style data-prep transforms; fit_transform == transform (stateless here).
TF_FNS = [lambda x: x, jnp.tanh, lambda x: x * x, jax.nn.sigmoid]
N, F, T = 8192, 2048, 4

def setup_inputs(seed: int = 0) -> dict:
    key = jax.random.key(seed)
    k1, k2, k3 = jax.random.split(key, 3)
    X = jax.random.normal(k1, (N, F), dtype=jnp.float32)
    alpha = jax.random.uniform(k2, (F,), dtype=jnp.float32)
    # module state: tf_prob_logits (beta) -> tf_prob_sample via categorical_sample(use_sample=False),
    # i.e. softmax over the transform options (the 'router' probabilities)
    tf_prob_logits = jax.random.normal(k3, (F, T), dtype=jnp.float32)
    return {"X": X, "alpha": alpha, "tf_prob_logits": tf_prob_logits}

def reference(X, alpha, tf_prob_logits):
    eps = 1e-6
    # categorical_sample(logits, temperature, use_sample=False) -> logits_to_probs
    tf_prob_sample = jax.nn.softmax(tf_prob_logits, axis=-1)  # [F, T]
    # forward: apply each transform (torch detaches X before numpy transform)
    Xd = jax.lax.stop_gradient(X)
    X_trans = jnp.stack([f(Xd) for f in TF_FNS], axis=2)  # [N, F, T]
    alpha_u = alpha[None, :]  # alpha.unsqueeze(0)
    X_trans_sample = jnp.sum(X_trans * tf_prob_sample[None, :, :], axis=2) * alpha_u  # [N, F]
    # numerical_diff on detached X, detached sample probs, detached alpha
    sample_d = jax.lax.stop_gradient(tf_prob_sample)
    alpha_d = jax.lax.stop_gradient(alpha_u)
    X_grads = jnp.stack([(f(Xd + eps) - f(Xd - eps)) / (2.0 * eps) for f in TF_FNS], axis=2)  # [N, F, T]
    X_sample_grad = jnp.sum(X_grads * sample_d[None, :, :], axis=2) * alpha_d
    X_sample_grad = jnp.clip(X_sample_grad, -10.0, 10.0)
    X_grad = jax.lax.stop_gradient(X_sample_grad)  # returned as fresh torch.Tensor (no grad)
    # straight-through surrogate: X_trans_sample + X_grad*X - (X_grad*X).detach()
    X_output = X_trans_sample + X_grad * X - jax.lax.stop_gradient(X_grad * X)
    return X_output

if __name__ == "__main__":
    import jax
    _d = setup_inputs()
    print(jax.jit(kernel)(*tuple(_d.values())))

</pallas_src>

<mosaic_0001>
#map = affine_map<(d0, d1) -> (0, 0)>
#map1 = affine_map<(d0, d1) -> (0)>
module attributes {stable_mosaic.version = 14 : i64} {
  func.func @_sc_body(%arg0: i32, %arg1: i32, %arg2: memref<8192x2048xf32, #tpu.memory_space<hbm>>, %arg3: memref<2048xf32, #tpu.memory_space<hbm>>, %arg4: memref<4x2048xf32, #tpu.memory_space<hbm>>, %arg5: memref<8192x2048xf32, #tpu.memory_space<hbm>>, %arg6: memref<4x2048xf32, #tpu.memory_space<vmem>>, %arg7: memref<2048xf32, #tpu.memory_space<vmem>>, %arg8: memref<4x2048xf32, #tpu.memory_space<vmem>>, %arg9: memref<8x2048xf32, #tpu.memory_space<vmem>>, %arg10: memref<8x2048xf32, #tpu.memory_space<vmem>>, %arg11: memref<8x2048xf32, #tpu.memory_space<vmem>>, %arg12: memref<8x2048xf32, #tpu.memory_space<vmem>>, %arg13: memref<!tpu.dma_semaphore, #tpu.memory_space<semaphore_mem>>, %arg14: memref<!tpu.dma_semaphore, #tpu.memory_space<semaphore_mem>>, %arg15: memref<!tpu.dma_semaphore, #tpu.memory_space<semaphore_mem>>, %arg16: memref<!tpu.dma_semaphore, #tpu.memory_space<semaphore_mem>>) attributes {dimension_semantics = [#tpu.dimension_semantics<core_parallel>, #tpu.dimension_semantics<subcore_parallel>], iteration_bounds = array<i64: 2, 16>, scalar_prefetch = 0 : i64, scratch_operands = 11 : i64, tpu.core_type = #tpu.core_type<sc_vector_subcore>, window_params = [{transform_indices = #map}, {transform_indices = #map1}, {transform_indices = #map}, {transform_indices = #map}]} {
    %mul3A = arith.constant 2 : i32
    %mul3A_0 = arith.muli %arg1, %mul3A : i32
    %add3A = arith.addi %mul3A_0, %arg0 : i32
    %mul3A_1 = arith.constant 256 : i32
    %mul3A_2 = arith.muli %add3A, %mul3A_1 : i32
    %dma_start3A = arith.constant 0 : i32
    %dma_start3A_3 = tpu.memref_slice %arg2[%mul3A_2, %dma_start3A] : memref<8192x2048xf32, #tpu.memory_space<hbm>> -> memref<8x2048xf32, #tpu.memory_space<hbm>>
    %dma_start3A_4 = arith.constant 0 : i32
    %dma_start3A_5 = tpu.memref_slice %arg2[%mul3A_2, %dma_start3A_4] : memref<8192x2048xf32, #tpu.memory_space<hbm>> -> memref<8x2048xf32, #tpu.memory_space<hbm>>
    tpu.enqueue_dma source(%dma_start3A_5 : memref<8x2048xf32, #tpu.memory_space<hbm>>) target(%arg9 : memref<8x2048xf32, #tpu.memory_space<vmem>>) target_semaphore(%arg13 : memref<!tpu.dma_semaphore, #tpu.memory_space<semaphore_mem>>)
    "tpu.region"() ({
      %run_scoped3A = tpu.sem_alloc : memref<!tpu.dma_semaphore, #tpu.memory_space<semaphore_mem>>
      tpu.enqueue_dma source(%arg4 : memref<4x2048xf32, #tpu.memory_space<hbm>>) target(%arg6 : memref<4x2048xf32, #tpu.memory_space<vmem>>) target_semaphore(%run_scoped3A : memref<!tpu.dma_semaphore, #tpu.memory_space<semaphore_mem>>)
      tpu.wait_dma2 semaphore(%run_scoped3A : memref<!tpu.dma_semaphore, #tpu.memory_space<semaphore_mem>>) src(%arg4 : memref<4x2048xf32, #tpu.memory_space<hbm>>) dst(%arg6 : memref<4x2048xf32, #tpu.memory_space<vmem>>)
      tpu.yield
    }) : () -> ()
    "tpu.region"() ({
      %run_scoped3A = tpu.sem_alloc : memref<!tpu.dma_semaphore, #tpu.memory_space<semaphore_mem>>
      tpu.enqueue_dma source(%arg3 : memref<2048xf32, #tpu.memory_space<hbm>>) target(%arg7 : memref<2048xf32, #tpu.memory_space<vmem>>) target_semaphore(%run_scoped3A : memref<!tpu.dma_semaphore, #tpu.memory_space<semaphore_mem>>)
      tpu.wait_dma2 semaphore(%run_scoped3A : memref<!tpu.dma_semaphore, #tpu.memory_space<semaphore_mem>>) src(%arg3 : memref<2048xf32, #tpu.memory_space<hbm>>) dst(%arg7 : memref<2048xf32, #tpu.memory_space<vmem>>)
      tpu.yield
    }) : () -> ()
    %scan3A = arith.constant 0 : i32
    %scan3A_6 = arith.constant 0 : i32
    %scan3A_7 = arith.constant 128 : i32
    %scan3A_8 = arith.addi %scan3A_6, %scan3A_7 : i32
    %scan3A_9 = arith.constant 1 : i32
    scf.for %scan3A_28 = %scan3A_6 to %scan3A_8 step %scan3A_9  : i32 {
      %mul3A_29 = arith.constant 16 : i32
      %mul3A_30 = arith.muli %scan3A_28, %mul3A_29 : i32
      %get3A = arith.constant 0 : i32
      %get3A_31 = arith.index_cast %get3A : i32 to index
      %get3A_32 = arith.index_cast %mul3A_30 : i32 to index
      %get3A_33 = tpu.vector_load %arg6[%get3A_31, %get3A_32] {strides = array<i32>} : memref<4x2048xf32, #tpu.memory_space<vmem>>, vector<1x16xf32>,
      %get3A_34 = vector.shape_cast %get3A_33 : vector<1x16xf32> to vector<16xf32>
      %get3A_35 = arith.constant 1 : i32
      %get3A_36 = arith.index_cast %get3A_35 : i32 to index
      %get3A_37 = arith.index_cast %mul3A_30 : i32 to index
      %get3A_38 = tpu.vector_load %arg6[%get3A_36, %get3A_37] {strides = array<i32>} : memref<4x2048xf32, #tpu.memory_space<vmem>>, vector<1x16xf32>,
      %get3A_39 = vector.shape_cast %get3A_38 : vector<1x16xf32> to vector<16xf32>
      %get3A_40 = arith.constant 2 : i32
      %get3A_41 = arith.index_cast %get3A_40 : i32 to index
      %get3A_42 = arith.index_cast %mul3A_30 : i32 to index
      %get3A_43 = tpu.vector_load %arg6[%get3A_41, %get3A_42] {strides = array<i32>} : memref<4x2048xf32, #tpu.memory_space<vmem>>, vector<1x16xf32>,
      %get3A_44 = vector.shape_cast %get3A_43 : vector<1x16xf32> to vector<16xf32>
      %get3A_45 = arith.constant 3 : i32
      %get3A_46 = arith.index_cast %get3A_45 : i32 to index
      %get3A_47 = arith.index_cast %mul3A_30 : i32 to index
      %get3A_48 = tpu.vector_load %arg6[%get3A_46, %get3A_47] {strides = array<i32>} : memref<4x2048xf32, #tpu.memory_space<vmem>>, vector<1x16xf32>,
      %get3A_49 = vector.shape_cast %get3A_48 : vector<1x16xf32> to vector<16xf32>
      %max3A = arith.maximumf %get3A_34, %get3A_39 : vector<16xf32>
      %max3A_50 = arith.maximumf %get3A_44, %get3A_49 : vector<16xf32>
      %max3A_51 = arith.maximumf %max3A, %max3A_50 : vector<16xf32>
      %sub3A = arith.subf %get3A_34, %max3A_51 : vector<16xf32>
      %exp3A = math.exp %sub3A : vector<16xf32>
      %sub3A_52 = arith.subf %get3A_39, %max3A_51 : vector<16xf32>
      %exp3A_53 = math.exp %sub3A_52 : vector<16xf32>
      %sub3A_54 = arith.subf %get3A_44, %max3A_51 : vector<16xf32>
      %exp3A_55 = math.exp %sub3A_54 : vector<16xf32>
      %sub3A_56 = arith.subf %get3A_49, %max3A_51 : vector<16xf32>
      %exp3A_57 = math.exp %sub3A_56 : vector<16xf32>
      %get3A_58 = arith.index_cast %mul3A_30 : i32 to index
      %get3A_59 = tpu.vector_load %arg7[%get3A_58] {strides = array<i32>} : memref<2048xf32, #tpu.memory_space<vmem>>, vector<16xf32>,
      %get3A_60 = vector.shape_cast %get3A_59 : vector<16xf32> to vector<16xf32>
      %add3A_61 = arith.addf %exp3A, %exp3A_53 : vector<16xf32>
      %add3A_62 = arith.addf %add3A_61, %exp3A_55 : vector<16xf32>
      %add3A_63 = arith.addf %add3A_62, %exp3A_57 : vector<16xf32>
      %div3A = arith.divf %get3A_60, %add3A_63 : vector<16xf32>
      %mul3A_64 = arith.mulf %exp3A, %div3A : vector<16xf32>
      %swap3A = arith.constant 0 : i32
      %swap3A_65 = arith.index_cast %swap3A : i32 to index
      %swap3A_66 = arith.index_cast %mul3A_30 : i32 to index
      %swap3A_67 = tpu.vector_load %arg8[%swap3A_65, %swap3A_66] {strides = array<i32>} : memref<4x2048xf32, #tpu.memory_space<vmem>>, vector<1x16xf32>,
      %swap3A_68 = vector.shape_cast %swap3A_67 : vector<1x16xf32> to vector<16xf32>
      %swap3A_69 = vector.shape_cast %mul3A_64 : vector<16xf32> to vector<1x16xf32>
      tpu.vector_store %arg8[%swap3A_65, %swap3A_66], %swap3A_69 {strides = array<i32>} : memref<4x2048xf32, #tpu.memory_space<vmem>>, vector<1x16xf32>,
      %mul3A_70 = arith.mulf %exp3A_53, %div3A : vector<16xf32>
      %swap3A_71 = arith.constant 1 : i32
      %swap3A_72 = arith.index_cast %swap3A_71 : i32 to index
      %swap3A_73 = arith.index_cast %mul3A_30 : i32 to index
      %swap3A_74 = tpu.vector_load %arg8[%swap3A_72, %swap3A_73] {strides = array<i32>} : memref<4x2048xf32, #tpu.memory_space<vmem>>, vector<1x16xf32>,
      %swap3A_75 = vector.shape_cast %swap3A_74 : vector<1x16xf32> to vector<16xf32>
      %swap3A_76 = vector.shape_cast %mul3A_70 : vector<16xf32> to vector<1x16xf32>
      tpu.vector_store %arg8[%swap3A_72, %swap3A_73], %swap3A_76 {strides = array<i32>} : memref<4x2048xf32, #tpu.memory_space<vmem>>, vector<1x16xf32>,
      %mul3A_77 = arith.mulf %exp3A_55, %div3A : vector<16xf32>
      %swap3A_78 = arith.constant 2 : i32
      %swap3A_79 = arith.index_cast %swap3A_78 : i32 to index
      %swap3A_80 = arith.index_cast %mul3A_30 : i32 to index
      %swap3A_81 = tpu.vector_load %arg8[%swap3A_79, %swap3A_80] {strides = array<i32>} : memref<4x2048xf32, #tpu.memory_space<vmem>>, vector<1x16xf32>,
      %swap3A_82 = vector.shape_cast %swap3A_81 : vector<1x16xf32> to vector<16xf32>
      %swap3A_83 = vector.shape_cast %mul3A_77 : vector<16xf32> to vector<1x16xf32>
      tpu.vector_store %arg8[%swap3A_79, %swap3A_80], %swap3A_83 {strides = array<i32>} : memref<4x2048xf32, #tpu.memory_space<vmem>>, vector<1x16xf32>,
      %mul3A_84 = arith.mulf %exp3A_57, %div3A : vector<16xf32>
      %swap3A_85 = arith.constant 3 : i32
      %swap3A_86 = arith.index_cast %swap3A_85 : i32 to index
      %swap3A_87 = arith.index_cast %mul3A_30 : i32 to index
      %swap3A_88 = tpu.vector_load %arg8[%swap3A_86, %swap3A_87] {strides = array<i32>} : memref<4x2048xf32, #tpu.memory_space<vmem>>, vector<1x16xf32>,
      %swap3A_89 = vector.shape_cast %swap3A_88 : vector<1x16xf32> to vector<16xf32>
      %swap3A_90 = vector.shape_cast %mul3A_84 : vector<16xf32> to vector<1x16xf32>
      tpu.vector_store %arg8[%swap3A_86, %swap3A_87], %swap3A_90 {strides = array<i32>} : memref<4x2048xf32, #tpu.memory_space<vmem>>, vector<1x16xf32>,
    }
    %scan3A_10 = arith.constant 128 : i32
    %scan3A_11 = arith.constant 0 : i32
    %scan3A_12 = arith.constant 0 : i32
    %scan3A_13 = arith.constant 16 : i32
    %scan3A_14 = arith.addi %scan3A_12, %scan3A_13 : i32
    %scan3A_15 = arith.constant 1 : i32
    scf.for %scan3A_28 = %scan3A_12 to %scan3A_14 step %scan3A_15  : i32 {
      %mul3A_29 = arith.constant 2 : i32
      %mul3A_30 = arith.muli %mul3A_29, %scan3A_28 : i32
      %add3A_31 = arith.constant 1 : i32
      %add3A_32 = arith.addi %mul3A_30, %add3A_31 : i32
      %mul3A_33 = arith.constant 8 : i32
      %mul3A_34 = arith.muli %add3A_32, %mul3A_33 : i32
      %add3A_35 = arith.addi %mul3A_2, %mul3A_34 : i32
      %dma_start3A_36 = arith.constant 0 : i32
      %dma_start3A_37 = tpu.memref_slice %arg2[%add3A_35, %dma_start3A_36] : memref<8192x2048xf32, #tpu.memory_space<hbm>> -> memref<8x2048xf32, #tpu.memory_space<hbm>>
      %dma_start3A_38 = arith.constant 0 : i32
      %dma_start3A_39 = tpu.memref_slice %arg2[%add3A_35, %dma_start3A_38] : memref<8192x2048xf32, #tpu.memory_space<hbm>> -> memref<8x2048xf32, #tpu.memory_space<hbm>>
      tpu.enqueue_dma source(%dma_start3A_39 : memref<8x2048xf32, #tpu.memory_space<hbm>>) target(%arg10 : memref<8x2048xf32, #tpu.memory_space<vmem>>) target_semaphore(%arg14 : memref<!tpu.dma_semaphore, #tpu.memory_space<semaphore_mem>>)
      %mul3A_40 = arith.constant 8 : i32
      %mul3A_41 = arith.muli %mul3A_30, %mul3A_40 : i32
      %add3A_42 = arith.addi %mul3A_2, %mul3A_41 : i32
      %dma_wait3A_43 = arith.constant 0 : i32
      %dma_wait3A_44 = tpu.memref_slice %arg2[%add3A_42, %dma_wait3A_43] : memref<8192x2048xf32, #tpu.memory_space<hbm>> -> memref<8x2048xf32, #tpu.memory_space<hbm>>
      %dma_wait3A_45 = arith.constant 0 : i32
      %dma_wait3A_46 = tpu.memref_slice %arg2[%add3A_42, %dma_wait3A_45] : memref<8192x2048xf32, #tpu.memory_space<hbm>> -> memref<8x2048xf32, #tpu.memory_space<hbm>>
      tpu.wait_dma2 semaphore(%arg13 : memref<!tpu.dma_semaphore, #tpu.memory_space<semaphore_mem>>) src(%dma_wait3A_46 : memref<8x2048xf32, #tpu.memory_space<hbm>>) dst(%arg9 : memref<8x2048xf32, #tpu.memory_space<vmem>>)
      %ge3A = arith.constant 1 : i32
      %ge3A_47 = arith.cmpi sge, %scan3A_28, %ge3A : i32
      %convert_element_type3A = arith.extui %ge3A_47 : i1 to i32
      %cond3A = arith.constant 0 : i32
      %cond3A_48 = arith.cmpi ne, %convert_element_type3A, %cond3A : i32
      scf.if %cond3A_48 {
        %sub3A = arith.constant 2 : i32
        %sub3A_86 = arith.subi %mul3A_30, %sub3A : i32
        %mul3A_87 = arith.constant 8 : i32
        %mul3A_88 = arith.muli %sub3A_86, %mul3A_87 : i32
        %add3A_89 = arith.addi %mul3A_2, %mul3A_88 : i32
        %dma_wait3A_90 = arith.constant 0 : i32
        %dma_wait3A_91 = tpu.memref_slice %arg5[%add3A_89, %dma_wait3A_90] : memref<8192x2048xf32, #tpu.memory_space<hbm>> -> memref<8x2048xf32, #tpu.memory_space<hbm>>
        %dma_wait3A_92 = arith.constant 0 : i32
        %dma_wait3A_93 = tpu.memref_slice %arg5[%add3A_89, %dma_wait3A_92] : memref<8192x2048xf32, #tpu.memory_space<hbm>> -> memref<8x2048xf32, #tpu.memory_space<hbm>>
        tpu.wait_dma2 semaphore(%arg15 : memref<!tpu.dma_semaphore, #tpu.memory_space<semaphore_mem>>) src(%arg11 : memref<8x2048xf32, #tpu.memory_space<vmem>>) dst(%dma_wait3A_93 : memref<8x2048xf32, #tpu.memory_space<hbm>>)
      } else {
      }
      %parallel_loop3A = arith.constant 0 : i32
      %parallel_loop3A_49 = arith.constant 128 : i32
      %parallel_loop3A_50 = arith.constant 1 : i32
      scf.for %parallel_loop3A_86 = %parallel_loop3A to %parallel_loop3A_49 step %parallel_loop3A_50  : i32 {
        %parallel_loop3A_87 = arith.constant 16 : i32
        %parallel_loop3A_88 = arith.muli %parallel_loop3A_86, %parallel_loop3A_87 : i32
        %parallel_loop3A_89 = arith.constant 0 : i32
        %parallel_loop3A_90 = arith.index_cast %parallel_loop3A_89 : i32 to index
        %parallel_loop3A_91 = arith.index_cast %parallel_loop3A_88 : i32 to index
        %parallel_loop3A_92 = tpu.vector_load %arg8[%parallel_loop3A_90, %parallel_loop3A_91] {strides = array<i32>} : memref<4x2048xf32, #tpu.memory_space<vmem>>, vector<1x16xf32>,
        %parallel_loop3A_93 = vector.shape_cast %parallel_loop3A_92 : vector<1x16xf32> to vector<16xf32>
        %parallel_loop3A_94 = arith.constant 1 : i32
        %parallel_loop3A_95 = arith.index_cast %parallel_loop3A_94 : i32 to index
        %parallel_loop3A_96 = arith.index_cast %parallel_loop3A_88 : i32 to index
        %parallel_loop3A_97 = tpu.vector_load %arg8[%parallel_loop3A_95, %parallel_loop3A_96] {strides = array<i32>} : memref<4x2048xf32, #tpu.memory_space<vmem>>, vector<1x16xf32>,
        %parallel_loop3A_98 = vector.shape_cast %parallel_loop3A_97 : vector<1x16xf32> to vector<16xf32>
        %parallel_loop3A_99 = arith.constant 2 : i32
        %parallel_loop3A_100 = arith.index_cast %parallel_loop3A_99 : i32 to index
        %parallel_loop3A_101 = arith.index_cast %parallel_loop3A_88 : i32 to index
        %parallel_loop3A_102 = tpu.vector_load %arg8[%parallel_loop3A_100, %parallel_loop3A_101] {strides = array<i32>} : memref<4x2048xf32, #tpu.memory_space<vmem>>, vector<1x16xf32>,
        %parallel_loop3A_103 = vector.shape_cast %parallel_loop3A_102 : vector<1x16xf32> to vector<16xf32>
        %parallel_loop3A_104 = arith.constant 3 : i32
        %parallel_loop3A_105 = arith.index_cast %parallel_loop3A_104 : i32 to index
        %parallel_loop3A_106 = arith.index_cast %parallel_loop3A_88 : i32 to index
        %parallel_loop3A_107 = tpu.vector_load %arg8[%parallel_loop3A_105, %parallel_loop3A_106] {strides = array<i32>} : memref<4x2048xf32, #tpu.memory_space<vmem>>, vector<1x16xf32>,
        %parallel_loop3A_108 = vector.shape_cast %parallel_loop3A_107 : vector<1x16xf32> to vector<16xf32>
        %parallel_loop3A_109 = arith.constant 0 : i32
        %parallel_loop3A_110 = arith.index_cast %parallel_loop3A_109 : i32 to index
        %parallel_loop3A_111 = arith.index_cast %parallel_loop3A_88 : i32 to index
        %parallel_loop3A_112 = tpu.vector_load %arg9[%parallel_loop3A_110, %parallel_loop3A_111] {strides = array<i32>} : memref<8x2048xf32, #tpu.memory_space<vmem>>, vector<1x16xf32>,
        %parallel_loop3A_113 = vector.shape_cast %parallel_loop3A_112 : vector<1x16xf32> to vector<16xf32>
        %parallel_loop3A_114 = arith.constant 0.000000e+00 : f32
        %parallel_loop3A_115 = vector.broadcast %parallel_loop3A_114 : f32 to vector<16xf32>
        %parallel_loop3A_116 = arith.subf %parallel_loop3A_115, %parallel_loop3A_113 : vector<16xf32>
        %parallel_loop3A_117 = math.exp %parallel_loop3A_116 : vector<16xf32>
        %parallel_loop3A_118 = arith.constant 1.000000e+09 : f32
        %parallel_loop3A_119 = vector.broadcast %parallel_loop3A_118 : f32 to vector<16xf32>
        %parallel_loop3A_120 = arith.minimumf %parallel_loop3A_117, %parallel_loop3A_119 : vector<16xf32>
        %parallel_loop3A_121 = arith.mulf %parallel_loop3A_120, %parallel_loop3A_120 : vector<16xf32>
        %parallel_loop3A_122 = arith.constant 1.000000e+00 : f32
        %parallel_loop3A_123 = vector.broadcast %parallel_loop3A_122 : f32 to vector<16xf32>
        %parallel_loop3A_124 = arith.addf %parallel_loop3A_123, %parallel_loop3A_120 : vector<16xf32>
        %parallel_loop3A_125 = arith.constant 1.000000e+00 : f32
        %parallel_loop3A_126 = vector.broadcast %parallel_loop3A_125 : f32 to vector<16xf32>
        %parallel_loop3A_127 = arith.addf %parallel_loop3A_126, %parallel_loop3A_121 : vector<16xf32>
        %parallel_loop3A_128 = arith.mulf %parallel_loop3A_124, %parallel_loop3A_127 : vector<16xf32>
        %parallel_loop3A_129 = arith.constant 1.000000e+00 : f32
        %parallel_loop3A_130 = vector.broadcast %parallel_loop3A_129 : f32 to vector<16xf32>
        %parallel_loop3A_131 = arith.divf %parallel_loop3A_130, %parallel_loop3A_128 : vector<16xf32>
        %parallel_loop3A_132 = arith.mulf %parallel_loop3A_98, %parallel_loop3A_124 : vector<16xf32>
        %parallel_loop3A_133 = arith.constant 1.000000e+00 : f32
        %parallel_loop3A_134 = vector.broadcast %parallel_loop3A_133 : f32 to vector<16xf32>
        %parallel_loop3A_135 = arith.subf %parallel_loop3A_134, %parallel_loop3A_121 : vector<16xf32>
        %parallel_loop3A_136 = arith.mulf %parallel_loop3A_132, %parallel_loop3A_135 : vector<16xf32>
        %parallel_loop3A_137 = arith.mulf %parallel_loop3A_108, %parallel_loop3A_127 : vector<16xf32>
        %parallel_loop3A_138 = arith.addf %parallel_loop3A_136, %parallel_loop3A_137 : vector<16xf32>
        %parallel_loop3A_139 = arith.mulf %parallel_loop3A_103, %parallel_loop3A_113 : vector<16xf32>
        %parallel_loop3A_140 = arith.addf %parallel_loop3A_93, %parallel_loop3A_139 : vector<16xf32>
        %parallel_loop3A_141 = arith.mulf %parallel_loop3A_113, %parallel_loop3A_140 : vector<16xf32>
        %parallel_loop3A_142 = arith.mulf %parallel_loop3A_138, %parallel_loop3A_131 : vector<16xf32>
        %parallel_loop3A_143 = arith.addf %parallel_loop3A_141, %parallel_loop3A_142 : vector<16xf32>
        %parallel_loop3A_144 = arith.constant 0 : i32
        %parallel_loop3A_145 = arith.index_cast %parallel_loop3A_144 : i32 to index
        %parallel_loop3A_146 = arith.index_cast %parallel_loop3A_88 : i32 to index
        %parallel_loop3A_147 = tpu.vector_load %arg11[%parallel_loop3A_145, %parallel_loop3A_146] {strides = array<i32>} : memref<8x2048xf32, #tpu.memory_space<vmem>>, vector<1x16xf32>,
        %parallel_loop3A_148 = vector.shape_cast %parallel_loop3A_147 : vector<1x16xf32> to vector<16xf32>
        %parallel_loop3A_149 = vector.shape_cast %parallel_loop3A_143 : vector<16xf32> to vector<1x16xf32>
        tpu.vector_store %arg11[%parallel_loop3A_145, %parallel_loop3A_146], %parallel_loop3A_149 {strides = array<i32>} : memref<8x2048xf32, #tpu.memory_space<vmem>>, vector<1x16xf32>,
        %parallel_loop3A_150 = arith.constant 1 : i32
        %parallel_loop3A_151 = arith.index_cast %parallel_loop3A_150 : i32 to index
        %parallel_loop3A_152 = arith.index_cast %parallel_loop3A_88 : i32 to index
        %parallel_loop3A_153 = tpu.vector_load %arg9[%parallel_loop3A_151, %parallel_loop3A_152] {strides = array<i32>} : memref<8x2048xf32, #tpu.memory_space<vmem>>, vector<1x16xf32>,
        %parallel_loop3A_154 = vector.shape_cast %parallel_loop3A_153 : vector<1x16xf32> to vector<16xf32>
        %parallel_loop3A_155 = arith.constant 0.000000e+00 : f32
        %parallel_loop3A_156 = vector.broadcast %parallel_loop3A_155 : f32 to vector<16xf32>
        %parallel_loop3A_157 = arith.subf %parallel_loop3A_156, %parallel_loop3A_154 : vector<16xf32>
        %parallel_loop3A_158 = math.exp %parallel_loop3A_157 : vector<16xf32>
        %parallel_loop3A_159 = arith.constant 1.000000e+09 : f32
        %parallel_loop3A_160 = vector.broadcast %parallel_loop3A_159 : f32 to vector<16xf32>
        %parallel_loop3A_161 = arith.minimumf %parallel_loop3A_158, %parallel_loop3A_160 : vector<16xf32>
        %parallel_loop3A_162 = arith.mulf %parallel_loop3A_161, %parallel_loop3A_161 : vector<16xf32>
        %parallel_loop3A_163 = arith.constant 1.000000e+00 : f32
        %parallel_loop3A_164 = vector.broadcast %parallel_loop3A_163 : f32 to vector<16xf32>
        %parallel_loop3A_165 = arith.addf %parallel_loop3A_164, %parallel_loop3A_161 : vector<16xf32>
        %parallel_loop3A_166 = arith.constant 1.000000e+00 : f32
        %parallel_loop3A_167 = vector.broadcast %parallel_loop3A_166 : f32 to vector<16xf32>
        %parallel_loop3A_168 = arith.addf %parallel_loop3A_167, %parallel_loop3A_162 : vector<16xf32>
        %parallel_loop3A_169 = arith.mulf %parallel_loop3A_165, %parallel_loop3A_168 : vector<16xf32>
        %parallel_loop3A_170 = arith.constant 1.000000e+00 : f32
        %parallel_loop3A_171 = vector.broadcast %parallel_loop3A_170 : f32 to vector<16xf32>
        %parallel_loop3A_172 = arith.divf %parallel_loop3A_171, %parallel_loop3A_169 : vector<16xf32>
        %parallel_loop3A_173 = arith.mulf %parallel_loop3A_98, %parallel_loop3A_165 : vector<16xf32>
        %parallel_loop3A_174 = arith.constant 1.000000e+00 : f32
        %parallel_loop3A_175 = vector.broadcast %parallel_loop3A_174 : f32 to vector<16xf32>
        %parallel_loop3A_176 = arith.subf %parallel_loop3A_175, %parallel_loop3A_162 : vector<16xf32>
        %parallel_loop3A_177 = arith.mulf %parallel_loop3A_173, %parallel_loop3A_176 : vector<16xf32>
        %parallel_loop3A_178 = arith.mulf %parallel_loop3A_108, %parallel_loop3A_168 : vector<16xf32>
        %parallel_loop3A_179 = arith.addf %parallel_loop3A_177, %parallel_loop3A_178 : vector<16xf32>
        %parallel_loop3A_180 = arith.mulf %parallel_loop3A_103, %parallel_loop3A_154 : vector<16xf32>
        %parallel_loop3A_181 = arith.addf %parallel_loop3A_93, %parallel_loop3A_180 : vector<16xf32>
        %parallel_loop3A_182 = arith.mulf %parallel_loop3A_154, %parallel_loop3A_181 : vector<16xf32>
        %parallel_loop3A_183 = arith.mulf %parallel_loop3A_179, %parallel_loop3A_172 : vector<16xf32>
        %parallel_loop3A_184 = arith.addf %parallel_loop3A_182, %parallel_loop3A_183 : vector<16xf32>
        %parallel_loop3A_185 = arith.constant 1 : i32
        %parallel_loop3A_186 = arith.index_cast %parallel_loop3A_185 : i32 to index
        %parallel_loop3A_187 = arith.index_cast %parallel_loop3A_88 : i32 to index
        %parallel_loop3A_188 = tpu.vector_load %arg11[%parallel_loop3A_186, %parallel_loop3A_187] {strides = array<i32>} : memref<8x2048xf32, #tpu.memory_space<vmem>>, vector<1x16xf32>,
        %parallel_loop3A_189 = vector.shape_cast %parallel_loop3A_188 : vector<1x16xf32> to vector<16xf32>
        %parallel_loop3A_190 = vector.shape_cast %parallel_loop3A_184 : vector<16xf32> to vector<1x16xf32>
        tpu.vector_store %arg11[%parallel_loop3A_186, %parallel_loop3A_187], %parallel_loop3A_190 {strides = array<i32>} : memref<8x2048xf32, #tpu.memory_space<vmem>>, vector<1x16xf32>,
        %parallel_loop3A_191 = arith.constant 2 : i32
        %parallel_loop3A_192 = arith.index_cast %parallel_loop3A_191 : i32 to index
        %parallel_loop3A_193 = arith.index_cast %parallel_loop3A_88 : i32 to index
        %parallel_loop3A_194 = tpu.vector_load %arg9[%parallel_loop3A_192, %parallel_loop3A_193] {strides = array<i32>} : memref<8x2048xf32, #tpu.memory_space<vmem>>, vector<1x16xf32>,
        %parallel_loop3A_195 = vector.shape_cast %parallel_loop3A_194 : vector<1x16xf32> to vector<16xf32>
        %parallel_loop3A_196 = arith.constant 0.000000e+00 : f32
        %parallel_loop3A_197 = vector.broadcast %parallel_loop3A_196 : f32 to vector<16xf32>
        %parallel_loop3A_198 = arith.subf %parallel_loop3A_197, %parallel_loop3A_195 : vector<16xf32>
        %parallel_loop3A_199 = math.exp %parallel_loop3A_198 : vector<16xf32>
        %parallel_loop3A_200 = arith.constant 1.000000e+09 : f32
        %parallel_loop3A_201 = vector.broadcast %parallel_loop3A_200 : f32 to vector<16xf32>
        %parallel_loop3A_202 = arith.minimumf %parallel_loop3A_199, %parallel_loop3A_201 : vector<16xf32>
        %parallel_loop3A_203 = arith.mulf %parallel_loop3A_202, %parallel_loop3A_202 : vector<16xf32>
        %parallel_loop3A_204 = arith.constant 1.000000e+00 : f32
        %parallel_loop3A_205 = vector.broadcast %parallel_loop3A_204 : f32 to vector<16xf32>
        %parallel_loop3A_206 = arith.addf %parallel_loop3A_205, %parallel_loop3A_202 : vector<16xf32>
        %parallel_loop3A_207 = arith.constant 1.000000e+00 : f32
        %parallel_loop3A_208 = vector.broadcast %parallel_loop3A_207 : f32 to vector<16xf32>
        %parallel_loop3A_209 = arith.addf %parallel_loop3A_208, %parallel_loop3A_203 : vector<16xf32>
        %parallel_loop3A_210 = arith.mulf %parallel_loop3A_206, %parallel_loop3A_209 : vector<16xf32>
        %parallel_loop3A_211 = arith.constant 1.000000e+00 : f32
        %parallel_loop3A_212 = vector.broadcast %parallel_loop3A_211 : f32 to vector<16xf32>
        %parallel_loop3A_213 = arith.divf %parallel_loop3A_212, %parallel_loop3A_210 : vector<16xf32>
        %parallel_loop3A_214 = arith.mulf %parallel_loop3A_98, %parallel_loop3A_206 : vector<16xf32>
        %parallel_loop3A_215 = arith.constant 1.000000e+00 : f32
        %parallel_loop3A_216 = vector.broadcast %parallel_loop3A_215 : f32 to vector<16xf32>
        %parallel_loop3A_217 = arith.subf %parallel_loop3A_216, %parallel_loop3A_203 : vector<16xf32>
        %parallel_loop3A_218 = arith.mulf %parallel_loop3A_214, %parallel_loop3A_217 : vector<16xf32>
        %parallel_loop3A_219 = arith.mulf %parallel_loop3A_108, %parallel_loop3A_209 : vector<16xf32>
        %parallel_loop3A_220 = arith.addf %parallel_loop3A_218, %parallel_loop3A_219 : vector<16xf32>
        %parallel_loop3A_221 = arith.mulf %parallel_loop3A_103, %parallel_loop3A_195 : vector<16xf32>
        %parallel_loop3A_222 = arith.addf %parallel_loop3A_93, %parallel_loop3A_221 : vector<16xf32>
        %parallel_loop3A_223 = arith.mulf %parallel_loop3A_195, %parallel_loop3A_222 : vector<16xf32>
        %parallel_loop3A_224 = arith.mulf %parallel_loop3A_220, %parallel_loop3A_213 : vector<16xf32>
        %parallel_loop3A_225 = arith.addf %parallel_loop3A_223, %parallel_loop3A_224 : vector<16xf32>
        %parallel_loop3A_226 = arith.constant 2 : i32
        %parallel_loop3A_227 = arith.index_cast %parallel_loop3A_226 : i32 to index
        %parallel_loop3A_228 = arith.index_cast %parallel_loop3A_88 : i32 to index
        %parallel_loop3A_229 = tpu.vector_load %arg11[%parallel_loop3A_227, %parallel_loop3A_228] {strides = array<i32>} : memref<8x2048xf32, #tpu.memory_space<vmem>>, vector<1x16xf32>,
        %parallel_loop3A_230 = vector.shape_cast %parallel_loop3A_229 : vector<1x16xf32> to vector<16xf32>
        %parallel_loop3A_231 = vector.shape_cast %parallel_loop3A_225 : vector<16xf32> to vector<1x16xf32>
        tpu.vector_store %arg11[%parallel_loop3A_227, %parallel_loop3A_228], %parallel_loop3A_231 {strides = array<i32>} : memref<8x2048xf32, #tpu.memory_space<vmem>>, vector<1x16xf32>,
        %parallel_loop3A_232 = arith.constant 3 : i32
        %parallel_loop3A_233 = arith.index_cast %parallel_loop3A_232 : i32 to index
        %parallel_loop3A_234 = arith.index_cast %parallel_loop3A_88 : i32 to index
        %parallel_loop3A_235 = tpu.vector_load %arg9[%parallel_loop3A_233, %parallel_loop3A_234] {strides = array<i32>} : memref<8x2048xf32, #tpu.memory_space<vmem>>, vector<1x16xf32>,
        %parallel_loop3A_236 = vector.shape_cast %parallel_loop3A_235 : vector<1x16xf32> to vector<16xf32>
        %parallel_loop3A_237 = arith.constant 0.000000e+00 : f32
        %parallel_loop3A_238 = vector.broadcast %parallel_loop3A_237 : f32 to vector<16xf32>
        %parallel_loop3A_239 = arith.subf %parallel_loop3A_238, %parallel_loop3A_236 : vector<16xf32>
        %parallel_loop3A_240 = math.exp %parallel_loop3A_239 : vector<16xf32>
        %parallel_loop3A_241 = arith.constant 1.000000e+09 : f32
        %parallel_loop3A_242 = vector.broadcast %parallel_loop3A_241 : f32 to vector<16xf32>
        %parallel_loop3A_243 = arith.minimumf %parallel_loop3A_240, %parallel_loop3A_242 : vector<16xf32>
        %parallel_loop3A_244 = arith.mulf %parallel_loop3A_243, %parallel_loop3A_243 : vector<16xf32>
        %parallel_loop3A_245 = arith.constant 1.000000e+00 : f32
        %parallel_loop3A_246 = vector.broadcast %parallel_loop3A_245 : f32 to vector<16xf32>
        %parallel_loop3A_247 = arith.addf %parallel_loop3A_246, %parallel_loop3A_243 : vector<16xf32>
        %parallel_loop3A_248 = arith.constant 1.000000e+00 : f32
        %parallel_loop3A_249 = vector.broadcast %parallel_loop3A_248 : f32 to vector<16xf32>
        %parallel_loop3A_250 = arith.addf %parallel_loop3A_249, %parallel_loop3A_244 : vector<16xf32>
        %parallel_loop3A_251 = arith.mulf %parallel_loop3A_247, %parallel_loop3A_250 : vector<16xf32>
        %parallel_loop3A_252 = arith.constant 1.000000e+00 : f32
        %parallel_loop3A_253 = vector.broadcast %parallel_loop3A_252 : f32 to vector<16xf32>
        %parallel_loop3A_254 = arith.divf %parallel_loop3A_253, %parallel_loop3A_251 : vector<16xf32>
        %parallel_loop3A_255 = arith.mulf %parallel_loop3A_98, %parallel_loop3A_247 : vector<16xf32>
        %parallel_loop3A_256 = arith.constant 1.000000e+00 : f32
        %parallel_loop3A_257 = vector.broadcast %parallel_loop3A_256 : f32 to vector<16xf32>
        %parallel_loop3A_258 = arith.subf %parallel_loop3A_257, %parallel_loop3A_244 : vector<16xf32>
        %parallel_loop3A_259 = arith.mulf %parallel_loop3A_255, %parallel_loop3A_258 : vector<16xf32>
        %parallel_loop3A_260 = arith.mulf %parallel_loop3A_108, %parallel_loop3A_250 : vector<16xf32>
        %parallel_loop3A_261 = arith.addf %parallel_loop3A_259, %parallel_loop3A_260 : vector<16xf32>
        %parallel_loop3A_262 = arith.mulf %parallel_loop3A_103, %parallel_loop3A_236 : vector<16xf32>
        %parallel_loop3A_263 = arith.addf %parallel_loop3A_93, %parallel_loop3A_262 : vector<16xf32>
        %parallel_loop3A_264 = arith.mulf %parallel_loop3A_236, %parallel_loop3A_263 : vector<16xf32>
        %parallel_loop3A_265 = arith.mulf %parallel_loop3A_261, %parallel_loop3A_254 : vector<16xf32>
        %parallel_loop3A_266 = arith.addf %parallel_loop3A_264, %parallel_loop3A_265 : vector<16xf32>
        %parallel_loop3A_267 = arith.constant 3 : i32
        %parallel_loop3A_268 = arith.index_cast %parallel_loop3A_267 : i32 to index
        %parallel_loop3A_269 = arith.index_cast %parallel_loop3A_88 : i32 to index
        %parallel_loop3A_270 = tpu.vector_load %arg11[%parallel_loop3A_268, %parallel_loop3A_269] {strides = array<i32>} : memref<8x2048xf32, #tpu.memory_space<vmem>>, vector<1x16xf32>,
        %parallel_loop3A_271 = vector.shape_cast %parallel_loop3A_270 : vector<1x16xf32> to vector<16xf32>
        %parallel_loop3A_272 = vector.shape_cast %parallel_loop3A_266 : vector<16xf32> to vector<1x16xf32>
        tpu.vector_store %arg11[%parallel_loop3A_268, %parallel_loop3A_269], %parallel_loop3A_272 {strides = array<i32>} : memref<8x2048xf32, #tpu.memory_space<vmem>>, vector<1x16xf32>,
        %parallel_loop3A_273 = arith.constant 4 : i32
        %parallel_loop3A_274 = arith.index_cast %parallel_loop3A_273 : i32 to index
        %parallel_loop3A_275 = arith.index_cast %parallel_loop3A_88 : i32 to index
        %parallel_loop3A_276 = tpu.vector_load %arg9[%parallel_loop3A_274, %parallel_loop3A_275] {strides = array<i32>} : memref<8x2048xf32, #tpu.memory_space<vmem>>, vector<1x16xf32>,
        %parallel_loop3A_277 = vector.shape_cast %parallel_loop3A_276 : vector<1x16xf32> to vector<16xf32>
        %parallel_loop3A_278 = arith.constant 0.000000e+00 : f32
        %parallel_loop3A_279 = vector.broadcast %parallel_loop3A_278 : f32 to vector<16xf32>
        %parallel_loop3A_280 = arith.subf %parallel_loop3A_279, %parallel_loop3A_277 : vector<16xf32>
        %parallel_loop3A_281 = math.exp %parallel_loop3A_280 : vector<16xf32>
        %parallel_loop3A_282 = arith.constant 1.000000e+09 : f32
        %parallel_loop3A_283 = vector.broadcast %parallel_loop3A_282 : f32 to vector<16xf32>
        %parallel_loop3A_284 = arith.minimumf %parallel_loop3A_281, %parallel_loop3A_283 : vector<16xf32>
        %parallel_loop3A_285 = arith.mulf %parallel_loop3A_284, %parallel_loop3A_284 : vector<16xf32>
        %parallel_loop3A_286 = arith.constant 1.000000e+00 : f32
        %parallel_loop3A_287 = vector.broadcast %parallel_loop3A_286 : f32 to vector<16xf32>
        %parallel_loop3A_288 = arith.addf %parallel_loop3A_287, %parallel_loop3A_284 : vector<16xf32>
        %parallel_loop3A_289 = arith.constant 1.000000e+00 : f32
        %parallel_loop3A_290 = vector.broadcast %parallel_loop3A_289 : f32 to vector<16xf32>
        %parallel_loop3A_291 = arith.addf %parallel_loop3A_290, %parallel_loop3A_285 : vector<16xf32>
        %parallel_loop3A_292 = arith.mulf %parallel_loop3A_288, %parallel_loop3A_291 : vector<16xf32>
        %parallel_loop3A_293 = arith.constant 1.000000e+00 : f32
        %parallel_loop3A_294 = vector.broadcast %parallel_loop3A_293 : f32 to vector<16xf32>
        %parallel_loop3A_295 = arith.divf %parallel_loop3A_294, %parallel_loop3A_292 : vector<16xf32>
        %parallel_loop3A_296 = arith.mulf %parallel_loop3A_98, %parallel_loop3A_288 : vector<16xf32>
        %parallel_loop3A_297 = arith.constant 1.000000e+00 : f32
        %parallel_loop3A_298 = vector.broadcast %parallel_loop3A_297 : f32 to vector<16xf32>
        %parallel_loop3A_299 = arith.subf %parallel_loop3A_298, %parallel_loop3A_285 : vector<16xf32>
        %parallel_loop3A_300 = arith.mulf %parallel_loop3A_296, %parallel_loop3A_299 : vector<16xf32>
        %parallel_loop3A_301 = arith.mulf %parallel_loop3A_108, %parallel_loop3A_291 : vector<16xf32>
        %parallel_loop3A_302 = arith.addf %parallel_loop3A_300, %parallel_loop3A_301 : vector<16xf32>
        %parallel_loop3A_303 = arith.mulf %parallel_loop3A_103, %parallel_loop3A_277 : vector<16xf32>
        %parallel_loop3A_304 = arith.addf %parallel_loop3A_93, %parallel_loop3A_303 : vector<16xf32>
        %parallel_loop3A_305 = arith.mulf %parallel_loop3A_277, %parallel_loop3A_304 : vector<16xf32>
        %parallel_loop3A_306 = arith.mulf %parallel_loop3A_302, %parallel_loop3A_295 : vector<16xf32>
        %parallel_loop3A_307 = arith.addf %parallel_loop3A_305, %parallel_loop3A_306 : vector<16xf32>
        %parallel_loop3A_308 = arith.constant 4 : i32
        %parallel_loop3A_309 = arith.index_cast %parallel_loop3A_308 : i32 to index
        %parallel_loop3A_310 = arith.index_cast %parallel_loop3A_88 : i32 to index
        %parallel_loop3A_311 = tpu.vector_load %arg11[%parallel_loop3A_309, %parallel_loop3A_310] {strides = array<i32>} : memref<8x2048xf32, #tpu.memory_space<vmem>>, vector<1x16xf32>,
        %parallel_loop3A_312 = vector.shape_cast %parallel_loop3A_311 : vector<1x16xf32> to vector<16xf32>
        %parallel_loop3A_313 = vector.shape_cast %parallel_loop3A_307 : vector<16xf32> to vector<1x16xf32>
        tpu.vector_store %arg11[%parallel_loop3A_309, %parallel_loop3A_310], %parallel_loop3A_313 {strides = array<i32>} : memref<8x2048xf32, #tpu.memory_space<vmem>>, vector<1x16xf32>,
        %parallel_loop3A_314 = arith.constant 5 : i32
        %parallel_loop3A_315 = arith.index_cast %parallel_loop3A_314 : i32 to index
        %parallel_loop3A_316 = arith.index_cast %parallel_loop3A_88 : i32 to index
        %parallel_loop3A_317 = tpu.vector_load %arg9[%parallel_loop3A_315, %parallel_loop3A_316] {strides = array<i32>} : memref<8x2048xf32, #tpu.memory_space<vmem>>, vector<1x16xf32>,
        %parallel_loop3A_318 = vector.shape_cast %parallel_loop3A_317 : vector<1x16xf32> to vector<16xf32>
        %parallel_loop3A_319 = arith.constant 0.000000e+00 : f32
        %parallel_loop3A_320 = vector.broadcast %parallel_loop3A_319 : f32 to vector<16xf32>
        %parallel_loop3A_321 = arith.subf %parallel_loop3A_320, %parallel_loop3A_318 : vector<16xf32>
        %parallel_loop3A_322 = math.exp %parallel_loop3A_321 : vector<16xf32>
        %parallel_loop3A_323 = arith.constant 1.000000e+09 : f32
        %parallel_loop3A_324 = vector.broadcast %parallel_loop3A_323 : f32 to vector<16xf32>
        %parallel_loop3A_325 = arith.minimumf %parallel_loop3A_322, %parallel_loop3A_324 : vector<16xf32>
        %parallel_loop3A_326 = arith.mulf %parallel_loop3A_325, %parallel_loop3A_325 : vector<16xf32>
        %parallel_loop3A_327 = arith.constant 1.000000e+00 : f32
        %parallel_loop3A_328 = vector.broadcast %parallel_loop3A_327 : f32 to vector<16xf32>
        %parallel_loop3A_329 = arith.addf %parallel_loop3A_328, %parallel_loop3A_325 : vector<16xf32>
        %parallel_loop3A_330 = arith.constant 1.000000e+00 : f32
        %parallel_loop3A_331 = vector.broadcast %parallel_loop3A_330 : f32 to vector<16xf32>
        %parallel_loop3A_332 = arith.addf %parallel_loop3A_331, %parallel_loop3A_326 : vector<16xf32>
        %parallel_loop3A_333 = arith.mulf %parallel_loop3A_329, %parallel_loop3A_332 : vector<16xf32>
        %parallel_loop3A_334 = arith.constant 1.000000e+00 : f32
        %parallel_loop3A_335 = vector.broadcast %parallel_loop3A_334 : f32 to vector<16xf32>
        %parallel_loop3A_336 = arith.divf %parallel_loop3A_335, %parallel_loop3A_333 : vector<16xf32>
        %parallel_loop3A_337 = arith.mulf %parallel_loop3A_98, %parallel_loop3A_329 : vector<16xf32>
        %parallel_loop3A_338 = arith.constant 1.000000e+00 : f32
        %parallel_loop3A_339 = vector.broadcast %parallel_loop3A_338 : f32 to vector<16xf32>
        %parallel_loop3A_340 = arith.subf %parallel_loop3A_339, %parallel_loop3A_326 : vector<16xf32>
        %parallel_loop3A_341 = arith.mulf %parallel_loop3A_337, %parallel_loop3A_340 : vector<16xf32>
        %parallel_loop3A_342 = arith.mulf %parallel_loop3A_108, %parallel_loop3A_332 : vector<16xf32>
        %parallel_loop3A_343 = arith.addf %parallel_loop3A_341, %parallel_loop3A_342 : vector<16xf32>
        %parallel_loop3A_344 = arith.mulf %parallel_loop3A_103, %parallel_loop3A_318 : vector<16xf32>
        %parallel_loop3A_345 = arith.addf %parallel_loop3A_93, %parallel_loop3A_344 : vector<16xf32>
        %parallel_loop3A_346 = arith.mulf %parallel_loop3A_318, %parallel_loop3A_345 : vector<16xf32>
        %parallel_loop3A_347 = arith.mulf %parallel_loop3A_343, %parallel_loop3A_336 : vector<16xf32>
        %parallel_loop3A_348 = arith.addf %parallel_loop3A_346, %parallel_loop3A_347 : vector<16xf32>
        %parallel_loop3A_349 = arith.constant 5 : i32
        %parallel_loop3A_350 = arith.index_cast %parallel_loop3A_349 : i32 to index
        %parallel_loop3A_351 = arith.index_cast %parallel_loop3A_88 : i32 to index
        %parallel_loop3A_352 = tpu.vector_load %arg11[%parallel_loop3A_350, %parallel_loop3A_351] {strides = array<i32>} : memref<8x2048xf32, #tpu.memory_space<vmem>>, vector<1x16xf32>,
        %parallel_loop3A_353 = vector.shape_cast %parallel_loop3A_352 : vector<1x16xf32> to vector<16xf32>
        %parallel_loop3A_354 = vector.shape_cast %parallel_loop3A_348 : vector<16xf32> to vector<1x16xf32>
        tpu.vector_store %arg11[%parallel_loop3A_350, %parallel_loop3A_351], %parallel_loop3A_354 {strides = array<i32>} : memref<8x2048xf32, #tpu.memory_space<vmem>>, vector<1x16xf32>,
        %parallel_loop3A_355 = arith.constant 6 : i32
        %parallel_loop3A_356 = arith.index_cast %parallel_loop3A_355 : i32 to index
        %parallel_loop3A_357 = arith.index_cast %parallel_loop3A_88 : i32 to index
        %parallel_loop3A_358 = tpu.vector_load %arg9[%parallel_loop3A_356, %parallel_loop3A_357] {strides = array<i32>} : memref<8x2048xf32, #tpu.memory_space<vmem>>, vector<1x16xf32>,
        %parallel_loop3A_359 = vector.shape_cast %parallel_loop3A_358 : vector<1x16xf32> to vector<16xf32>
        %parallel_loop3A_360 = arith.constant 0.000000e+00 : f32
        %parallel_loop3A_361 = vector.broadcast %parallel_loop3A_360 : f32 to vector<16xf32>
        %parallel_loop3A_362 = arith.subf %parallel_loop3A_361, %parallel_loop3A_359 : vector<16xf32>
        %parallel_loop3A_363 = math.exp %parallel_loop3A_362 : vector<16xf32>
        %parallel_loop3A_364 = arith.constant 1.000000e+09 : f32
        %parallel_loop3A_365 = vector.broadcast %parallel_loop3A_364 : f32 to vector<16xf32>
        %parallel_loop3A_366 = arith.minimumf %parallel_loop3A_363, %parallel_loop3A_365 : vector<16xf32>
        %parallel_loop3A_367 = arith.mulf %parallel_loop3A_366, %parallel_loop3A_366 : vector<16xf32>
        %parallel_loop3A_368 = arith.constant 1.000000e+00 : f32
        %parallel_loop3A_369 = vector.broadcast %parallel_loop3A_368 : f32 to vector<16xf32>
        %parallel_loop3A_370 = arith.addf %parallel_loop3A_369, %parallel_loop3A_366 : vector<16xf32>
        %parallel_loop3A_371 = arith.constant 1.000000e+00 : f32
        %parallel_loop3A_372 = vector.broadcast %parallel_loop3A_371 : f32 to vector<16xf32>
        %parallel_loop3A_373 = arith.addf %parallel_loop3A_372, %parallel_loop3A_367 : vector<16xf32>
        %parallel_loop3A_374 = arith.mulf %parallel_loop3A_370, %parallel_loop3A_373 : vector<16xf32>
        %parallel_loop3A_375 = arith.constant 1.000000e+00 : f32
        %parallel_loop3A_376 = vector.broadcast %parallel_loop3A_375 : f32 to vector<16xf32>
        %parallel_loop3A_377 = arith.divf %parallel_loop3A_376, %parallel_loop3A_374 : vector<16xf32>
        %parallel_loop3A_378 = arith.mulf %parallel_loop3A_98, %parallel_loop3A_370 : vector<16xf32>
        %parallel_loop3A_379 = arith.constant 1.000000e+00 : f32
        %parallel_loop3A_380 = vector.broadcast %parallel_loop3A_379 : f32 to vector<16xf32>
        %parallel_loop3A_381 = arith.subf %parallel_loop3A_380, %parallel_loop3A_367 : vector<16xf32>
        %parallel_loop3A_382 = arith.mulf %parallel_loop3A_378, %parallel_loop3A_381 : vector<16xf32>
        %parallel_loop3A_383 = arith.mulf %parallel_loop3A_108, %parallel_loop3A_373 : vector<16xf32>
        %parallel_loop3A_384 = arith.addf %parallel_loop3A_382, %parallel_loop3A_383 : vector<16xf32>
        %parallel_loop3A_385 = arith.mulf %parallel_loop3A_103, %parallel_loop3A_359 : vector<16xf32>
        %parallel_loop3A_386 = arith.addf %parallel_loop3A_93, %parallel_loop3A_385 : vector<16xf32>
        %parallel_loop3A_387 = arith.mulf %parallel_loop3A_359, %parallel_loop3A_386 : vector<16xf32>
        %parallel_loop3A_388 = arith.mulf %parallel_loop3A_384, %parallel_loop3A_377 : vector<16xf32>
        %parallel_loop3A_389 = arith.addf %parallel_loop3A_387, %parallel_loop3A_388 : vector<16xf32>
        %parallel_loop3A_390 = arith.constant 6 : i32
        %parallel_loop3A_391 = arith.index_cast %parallel_loop3A_390 : i32 to index
        %parallel_loop3A_392 = arith.index_cast %parallel_loop3A_88 : i32 to index
        %parallel_loop3A_393 = tpu.vector_load %arg11[%parallel_loop3A_391, %parallel_loop3A_392] {strides = array<i32>} : memref<8x2048xf32, #tpu.memory_space<vmem>>, vector<1x16xf32>,
        %parallel_loop3A_394 = vector.shape_cast %parallel_loop3A_393 : vector<1x16xf32> to vector<16xf32>
        %parallel_loop3A_395 = vector.shape_cast %parallel_loop3A_389 : vector<16xf32> to vector<1x16xf32>
        tpu.vector_store %arg11[%parallel_loop3A_391, %parallel_loop3A_392], %parallel_loop3A_395 {strides = array<i32>} : memref<8x2048xf32, #tpu.memory_space<vmem>>, vector<1x16xf32>,
        %parallel_loop3A_396 = arith.constant 7 : i32
        %parallel_loop3A_397 = arith.index_cast %parallel_loop3A_396 : i32 to index
        %parallel_loop3A_398 = arith.index_cast %parallel_loop3A_88 : i32 to index
        %parallel_loop3A_399 = tpu.vector_load %arg9[%parallel_loop3A_397, %parallel_loop3A_398] {strides = array<i32>} : memref<8x2048xf32, #tpu.memory_space<vmem>>, vector<1x16xf32>,
        %parallel_loop3A_400 = vector.shape_cast %parallel_loop3A_399 : vector<1x16xf32> to vector<16xf32>
        %parallel_loop3A_401 = arith.constant 0.000000e+00 : f32
        %parallel_loop3A_402 = vector.broadcast %parallel_loop3A_401 : f32 to vector<16xf32>
        %parallel_loop3A_403 = arith.subf %parallel_loop3A_402, %parallel_loop3A_400 : vector<16xf32>
        %parallel_loop3A_404 = math.exp %parallel_loop3A_403 : vector<16xf32>
        %parallel_loop3A_405 = arith.constant 1.000000e+09 : f32
        %parallel_loop3A_406 = vector.broadcast %parallel_loop3A_405 : f32 to vector<16xf32>
        %parallel_loop3A_407 = arith.minimumf %parallel_loop3A_404, %parallel_loop3A_406 : vector<16xf32>
        %parallel_loop3A_408 = arith.mulf %parallel_loop3A_407, %parallel_loop3A_407 : vector<16xf32>
        %parallel_loop3A_409 = arith.constant 1.000000e+00 : f32
        %parallel_loop3A_410 = vector.broadcast %parallel_loop3A_409 : f32 to vector<16xf32>
        %parallel_loop3A_411 = arith.addf %parallel_loop3A_410, %parallel_loop3A_407 : vector<16xf32>
        %parallel_loop3A_412 = arith.constant 1.000000e+00 : f32
        %parallel_loop3A_413 = vector.broadcast %parallel_loop3A_412 : f32 to vector<16xf32>
        %parallel_loop3A_414 = arith.addf %parallel_loop3A_413, %parallel_loop3A_408 : vector<16xf32>
        %parallel_loop3A_415 = arith.mulf %parallel_loop3A_411, %parallel_loop3A_414 : vector<16xf32>
        %parallel_loop3A_416 = arith.constant 1.000000e+00 : f32
        %parallel_loop3A_417 = vector.broadcast %parallel_loop3A_416 : f32 to vector<16xf32>
        %parallel_loop3A_418 = arith.divf %parallel_loop3A_417, %parallel_loop3A_415 : vector<16xf32>
        %parallel_loop3A_419 = arith.mulf %parallel_loop3A_98, %parallel_loop3A_411 : vector<16xf32>
        %parallel_loop3A_420 = arith.constant 1.000000e+00 : f32
        %parallel_loop3A_421 = vector.broadcast %parallel_loop3A_420 : f32 to vector<16xf32>
        %parallel_loop3A_422 = arith.subf %parallel_loop3A_421, %parallel_loop3A_408 : vector<16xf32>
        %parallel_loop3A_423 = arith.mulf %parallel_loop3A_419, %parallel_loop3A_422 : vector<16xf32>
        %parallel_loop3A_424 = arith.mulf %parallel_loop3A_108, %parallel_loop3A_414 : vector<16xf32>
        %parallel_loop3A_425 = arith.addf %parallel_loop3A_423, %parallel_loop3A_424 : vector<16xf32>
        %parallel_loop3A_426 = arith.mulf %parallel_loop3A_103, %parallel_loop3A_400 : vector<16xf32>
        %parallel_loop3A_427 = arith.addf %parallel_loop3A_93, %parallel_loop3A_426 : vector<16xf32>
        %parallel_loop3A_428 = arith.mulf %parallel_loop3A_400, %parallel_loop3A_427 : vector<16xf32>
        %parallel_loop3A_429 = arith.mulf %parallel_loop3A_425, %parallel_loop3A_418 : vector<16xf32>
        %parallel_loop3A_430 = arith.addf %parallel_loop3A_428, %parallel_loop3A_429 : vector<16xf32>
        %parallel_loop3A_431 = arith.constant 7 : i32
        %parallel_loop3A_432 = arith.index_cast %parallel_loop3A_431 : i32 to index
        %parallel_loop3A_433 = arith.index_cast %parallel_loop3A_88 : i32 to index
        %parallel_loop3A_434 = tpu.vector_load %arg11[%parallel_loop3A_432, %parallel_loop3A_433] {strides = array<i32>} : memref<8x2048xf32, #tpu.memory_space<vmem>>, vector<1x16xf32>,
        %parallel_loop3A_435 = vector.shape_cast %parallel_loop3A_434 : vector<1x16xf32> to vector<16xf32>
        %parallel_loop3A_436 = vector.shape_cast %parallel_loop3A_430 : vector<16xf32> to vector<1x16xf32>
        tpu.vector_store %arg11[%parallel_loop3A_432, %parallel_loop3A_433], %parallel_loop3A_436 {strides = array<i32>} : memref<8x2048xf32, #tpu.memory_space<vmem>>, vector<1x16xf32>,
      } {sc.loop_unroll_factor = 1 : i64, sc.parallel_access}
      %mul3A_51 = arith.constant 8 : i32
      %mul3A_52 = arith.muli %mul3A_30, %mul3A_51 : i32
      %add3A_53 = arith.addi %mul3A_2, %mul3A_52 : i32
      %dma_start3A_54 = arith.constant 0 : i32
      %dma_start3A_55 = tpu.memref_slice %arg5[%add3A_53, %dma_start3A_54] : memref<8192x2048xf32, #tpu.memory_space<hbm>> -> memref<8x2048xf32, #tpu.memory_space<hbm>>
      %dma_start3A_56 = arith.constant 0 : i32
      %dma_start3A_57 = tpu.memref_slice %arg5[%add3A_53, %dma_start3A_56] : memref<8192x2048xf32, #tpu.memory_space<hbm>> -> memref<8x2048xf32, #tpu.memory_space<hbm>>
      tpu.enqueue_dma source(%arg11 : memref<8x2048xf32, #tpu.memory_space<vmem>>) target(%dma_start3A_57 : memref<8x2048xf32, #tpu.memory_space<hbm>>) target_semaphore(%arg15 : memref<!tpu.dma_semaphore, #tpu.memory_space<semaphore_mem>>)
      %add3A_58 = arith.constant 1 : i32
      %add3A_59 = arith.addi %scan3A_28, %add3A_58 : i32
      %lt3A = arith.constant 16 : i32
      %lt3A_60 = arith.cmpi slt, %add3A_59, %lt3A : i32
      %convert_element_type3A_61 = arith.extui %lt3A_60 : i1 to i32
      %cond3A_62 = arith.constant 0 : i32
      %cond3A_63 = arith.cmpi ne, %convert_element_type3A_61, %cond3A_62 : i32
      scf.if %cond3A_63 {
        %add3A_86 = arith.constant 2 : i32
        %add3A_87 = arith.addi %mul3A_30, %add3A_86 : i32
        %mul3A_88 = arith.constant 8 : i32
        %mul3A_89 = arith.muli %add3A_87, %mul3A_88 : i32
        %add3A_90 = arith.addi %mul3A_2, %mul3A_89 : i32
        %dma_start3A_91 = arith.constant 0 : i32
        %dma_start3A_92 = tpu.memref_slice %arg2[%add3A_90, %dma_start3A_91] : memref<8192x2048xf32, #tpu.memory_space<hbm>> -> memref<8x2048xf32, #tpu.memory_space<hbm>>
        %dma_start3A_93 = arith.constant 0 : i32
        %dma_start3A_94 = tpu.memref_slice %arg2[%add3A_90, %dma_start3A_93] : memref<8192x2048xf32, #tpu.memory_space<hbm>> -> memref<8x2048xf32, #tpu.memory_space<hbm>>
        tpu.enqueue_dma source(%dma_start3A_94 : memref<8x2048xf32, #tpu.memory_space<hbm>>) target(%arg9 : memref<8x2048xf32, #tpu.memory_space<vmem>>) target_semaphore(%arg13 : memref<!tpu.dma_semaphore, #tpu.memory_space<semaphore_mem>>)
      } else {
      }
      %mul3A_64 = arith.constant 8 : i32
      %mul3A_65 = arith.muli %add3A_32, %mul3A_64 : i32
      %add3A_66 = arith.addi %mul3A_2, %mul3A_65 : i32
      %dma_wait3A_67 = arith.constant 0 : i32
      %dma_wait3A_68 = tpu.memref_slice %arg2[%add3A_66, %dma_wait3A_67] : memref<8192x2048xf32, #tpu.memory_space<hbm>> -> memref<8x2048xf32, #tpu.memory_space<hbm>>
      %dma_wait3A_69 = arith.constant 0 : i32
      %dma_wait3A_70 = tpu.memref_slice %arg2[%add3A_66, %dma_wait3A_69] : memref<8192x2048xf32, #tpu.memory_space<hbm>> -> memref<8x2048xf32, #tpu.memory_space<hbm>>
      tpu.wait_dma2 semaphore(%arg14 : memref<!tpu.dma_semaphore, #tpu.memory_space<semaphore_mem>>) src(%dma_wait3A_70 : memref<8x2048xf32, #tpu.memory_space<hbm>>) dst(%arg10 : memref<8x2048xf32, #tpu.memory_space<vmem>>)
      %ge3A_71 = arith.constant 1 : i32
      %ge3A_72 = arith.cmpi sge, %scan3A_28, %ge3A_71 : i32
      %convert_element_type3A_73 = arith.extui %ge3A_72 : i1 to i32
      %cond3A_74 = arith.constant 0 : i32
      %cond3A_75 = arith.cmpi ne, %convert_element_type3A_73, %cond3A_74 : i32
      scf.if %cond3A_75 {
        %sub3A = arith.constant 2 : i32
        %sub3A_86 = arith.subi %add3A_32, %sub3A : i32
        %mul3A_87 = arith.constant 8 : i32
        %mul3A_88 = arith.muli %sub3A_86, %mul3A_87 : i32
        %add3A_89 = arith.addi %mul3A_2, %mul3A_88 : i32
        %dma_wait3A_90 = arith.constant 0 : i32
        %dma_wait3A_91 = tpu.memref_slice %arg5[%add3A_89, %dma_wait3A_90] : memref<8192x2048xf32, #tpu.memory_space<hbm>> -> memref<8x2048xf32, #tpu.memory_space<hbm>>
        %dma_wait3A_92 = arith.constant 0 : i32
        %dma_wait3A_93 = tpu.memref_slice %arg5[%add3A_89, %dma_wait3A_92] : memref<8192x2048xf32, #tpu.memory_space<hbm>> -> memref<8x2048xf32, #tpu.memory_space<hbm>>
        tpu.wait_dma2 semaphore(%arg16 : memref<!tpu.dma_semaphore, #tpu.memory_space<semaphore_mem>>) src(%arg12 : memref<8x2048xf32, #tpu.memory_space<vmem>>) dst(%dma_wait3A_93 : memref<8x2048xf32, #tpu.memory_space<hbm>>)
      } else {
      }
      %parallel_loop3A_76 = arith.constant 0 : i32
      %parallel_loop3A_77 = arith.constant 128 : i32
      %parallel_loop3A_78 = arith.constant 1 : i32
      scf.for %parallel_loop3A_86 = %parallel_loop3A_76 to %parallel_loop3A_77 step %parallel_loop3A_78  : i32 {
        %parallel_loop3A_87 = arith.constant 16 : i32
        %parallel_loop3A_88 = arith.muli %parallel_loop3A_86, %parallel_loop3A_87 : i32
        %parallel_loop3A_89 = arith.constant 0 : i32
        %parallel_loop3A_90 = arith.index_cast %parallel_loop3A_89 : i32 to index
        %parallel_loop3A_91 = arith.index_cast %parallel_loop3A_88 : i32 to index
        %parallel_loop3A_92 = tpu.vector_load %arg8[%parallel_loop3A_90, %parallel_loop3A_91] {strides = array<i32>} : memref<4x2048xf32, #tpu.memory_space<vmem>>, vector<1x16xf32>,
        %parallel_loop3A_93 = vector.shape_cast %parallel_loop3A_92 : vector<1x16xf32> to vector<16xf32>
        %parallel_loop3A_94 = arith.constant 1 : i32
        %parallel_loop3A_95 = arith.index_cast %parallel_loop3A_94 : i32 to index
        %parallel_loop3A_96 = arith.index_cast %parallel_loop3A_88 : i32 to index
        %parallel_loop3A_97 = tpu.vector_load %arg8[%parallel_loop3A_95, %parallel_loop3A_96] {strides = array<i32>} : memref<4x2048xf32, #tpu.memory_space<vmem>>, vector<1x16xf32>,
        %parallel_loop3A_98 = vector.shape_cast %parallel_loop3A_97 : vector<1x16xf32> to vector<16xf32>
        %parallel_loop3A_99 = arith.constant 2 : i32
        %parallel_loop3A_100 = arith.index_cast %parallel_loop3A_99 : i32 to index
        %parallel_loop3A_101 = arith.index_cast %parallel_loop3A_88 : i32 to index
        %parallel_loop3A_102 = tpu.vector_load %arg8[%parallel_loop3A_100, %parallel_loop3A_101] {strides = array<i32>} : memref<4x2048xf32, #tpu.memory_space<vmem>>, vector<1x16xf32>,
        %parallel_loop3A_103 = vector.shape_cast %parallel_loop3A_102 : vector<1x16xf32> to vector<16xf32>
        %parallel_loop3A_104 = arith.constant 3 : i32
        %parallel_loop3A_105 = arith.index_cast %parallel_loop3A_104 : i32 to index
        %parallel_loop3A_106 = arith.index_cast %parallel_loop3A_88 : i32 to index
        %parallel_loop3A_107 = tpu.vector_load %arg8[%parallel_loop3A_105, %parallel_loop3A_106] {strides = array<i32>} : memref<4x2048xf32, #tpu.memory_space<vmem>>, vector<1x16xf32>,
        %parallel_loop3A_108 = vector.shape_cast %parallel_loop3A_107 : vector<1x16xf32> to vector<16xf32>
        %parallel_loop3A_109 = arith.constant 0 : i32
        %parallel_loop3A_110 = arith.index_cast %parallel_loop3A_109 : i32 to index
        %parallel_loop3A_111 = arith.index_cast %parallel_loop3A_88 : i32 to index
        %parallel_loop3A_112 = tpu.vector_load %arg10[%parallel_loop3A_110, %parallel_loop3A_111] {strides = array<i32>} : memref<8x2048xf32, #tpu.memory_space<vmem>>, vector<1x16xf32>,
        %parallel_loop3A_113 = vector.shape_cast %parallel_loop3A_112 : vector<1x16xf32> to vector<16xf32>
        %parallel_loop3A_114 = arith.constant 0.000000e+00 : f32
        %parallel_loop3A_115 = vector.broadcast %parallel_loop3A_114 : f32 to vector<16xf32>
        %parallel_loop3A_116 = arith.subf %parallel_loop3A_115, %parallel_loop3A_113 : vector<16xf32>
        %parallel_loop3A_117 = math.exp %parallel_loop3A_116 : vector<16xf32>
        %parallel_loop3A_118 = arith.constant 1.000000e+09 : f32
        %parallel_loop3A_119 = vector.broadcast %parallel_loop3A_118 : f32 to vector<16xf32>
        %parallel_loop3A_120 = arith.minimumf %parallel_loop3A_117, %parallel_loop3A_119 : vector<16xf32>
        %parallel_loop3A_121 = arith.mulf %parallel_loop3A_120, %parallel_loop3A_120 : vector<16xf32>
        %parallel_loop3A_122 = arith.constant 1.000000e+00 : f32
        %parallel_loop3A_123 = vector.broadcast %parallel_loop3A_122 : f32 to vector<16xf32>
        %parallel_loop3A_124 = arith.addf %parallel_loop3A_123, %parallel_loop3A_120 : vector<16xf32>
        %parallel_loop3A_125 = arith.constant 1.000000e+00 : f32
        %parallel_loop3A_126 = vector.broadcast %parallel_loop3A_125 : f32 to vector<16xf32>
        %parallel_loop3A_127 = arith.addf %parallel_loop3A_126, %parallel_loop3A_121 : vector<16xf32>
        %parallel_loop3A_128 = arith.mulf %parallel_loop3A_124, %parallel_loop3A_127 : vector<16xf32>
        %parallel_loop3A_129 = arith.constant 1.000000e+00 : f32
        %parallel_loop3A_130 = vector.broadcast %parallel_loop3A_129 : f32 to vector<16xf32>
        %parallel_loop3A_131 = arith.divf %parallel_loop3A_130, %parallel_loop3A_128 : vector<16xf32>
        %parallel_loop3A_132 = arith.mulf %parallel_loop3A_98, %parallel_loop3A_124 : vector<16xf32>
        %parallel_loop3A_133 = arith.constant 1.000000e+00 : f32
        %parallel_loop3A_134 = vector.broadcast %parallel_loop3A_133 : f32 to vector<16xf32>
        %parallel_loop3A_135 = arith.subf %parallel_loop3A_134, %parallel_loop3A_121 : vector<16xf32>
        %parallel_loop3A_136 = arith.mulf %parallel_loop3A_132, %parallel_loop3A_135 : vector<16xf32>
        %parallel_loop3A_137 = arith.mulf %parallel_loop3A_108, %parallel_loop3A_127 : vector<16xf32>
        %parallel_loop3A_138 = arith.addf %parallel_loop3A_136, %parallel_loop3A_137 : vector<16xf32>
        %parallel_loop3A_139 = arith.mulf %parallel_loop3A_103, %parallel_loop3A_113 : vector<16xf32>
        %parallel_loop3A_140 = arith.addf %parallel_loop3A_93, %parallel_loop3A_139 : vector<16xf32>
        %parallel_loop3A_141 = arith.mulf %parallel_loop3A_113, %parallel_loop3A_140 : vector<16xf32>
        %parallel_loop3A_142 = arith.mulf %parallel_loop3A_138, %parallel_loop3A_131 : vector<16xf32>
        %parallel_loop3A_143 = arith.addf %parallel_loop3A_141, %parallel_loop3A_142 : vector<16xf32>
        %parallel_loop3A_144 = arith.constant 0 : i32
        %parallel_loop3A_145 = arith.index_cast %parallel_loop3A_144 : i32 to index
        %parallel_loop3A_146 = arith.index_cast %parallel_loop3A_88 : i32 to index
        %parallel_loop3A_147 = tpu.vector_load %arg12[%parallel_loop3A_145, %parallel_loop3A_146] {strides = array<i32>} : memref<8x2048xf32, #tpu.memory_space<vmem>>, vector<1x16xf32>,
        %parallel_loop3A_148 = vector.shape_cast %parallel_loop3A_147 : vector<1x16xf32> to vector<16xf32>
        %parallel_loop3A_149 = vector.shape_cast %parallel_loop3A_143 : vector<16xf32> to vector<1x16xf32>
        tpu.vector_store %arg12[%parallel_loop3A_145, %parallel_loop3A_146], %parallel_loop3A_149 {strides = array<i32>} : memref<8x2048xf32, #tpu.memory_space<vmem>>, vector<1x16xf32>,
        %parallel_loop3A_150 = arith.constant 1 : i32
        %parallel_loop3A_151 = arith.index_cast %parallel_loop3A_150 : i32 to index
        %parallel_loop3A_152 = arith.index_cast %parallel_loop3A_88 : i32 to index
        %parallel_loop3A_153 = tpu.vector_load %arg10[%parallel_loop3A_151, %parallel_loop3A_152] {strides = array<i32>} : memref<8x2048xf32, #tpu.memory_space<vmem>>, vector<1x16xf32>,
        %parallel_loop3A_154 = vector.shape_cast %parallel_loop3A_153 : vector<1x16xf32> to vector<16xf32>
        %parallel_loop3A_155 = arith.constant 0.000000e+00 : f32
        %parallel_loop3A_156 = vector.broadcast %parallel_loop3A_155 : f32 to vector<16xf32>
        %parallel_loop3A_157 = arith.subf %parallel_loop3A_156, %parallel_loop3A_154 : vector<16xf32>
        %parallel_loop3A_158 = math.exp %parallel_loop3A_157 : vector<16xf32>
        %parallel_loop3A_159 = arith.constant 1.000000e+09 : f32
        %parallel_loop3A_160 = vector.broadcast %parallel_loop3A_159 : f32 to vector<16xf32>
        %parallel_loop3A_161 = arith.minimumf %parallel_loop3A_158, %parallel_loop3A_160 : vector<16xf32>
        %parallel_loop3A_162 = arith.mulf %parallel_loop3A_161, %parallel_loop3A_161 : vector<16xf32>
        %parallel_loop3A_163 = arith.constant 1.000000e+00 : f32
        %parallel_loop3A_164 = vector.broadcast %parallel_loop3A_163 : f32 to vector<16xf32>
        %parallel_loop3A_165 = arith.addf %parallel_loop3A_164, %parallel_loop3A_161 : vector<16xf32>
        %parallel_loop3A_166 = arith.constant 1.000000e+00 : f32
        %parallel_loop3A_167 = vector.broadcast %parallel_loop3A_166 : f32 to vector<16xf32>
        %parallel_loop3A_168 = arith.addf %parallel_loop3A_167, %parallel_loop3A_162 : vector<16xf32>
        %parallel_loop3A_169 = arith.mulf %parallel_loop3A_165, %parallel_loop3A_168 : vector<16xf32>
        %parallel_loop3A_170 = arith.constant 1.000000e+00 : f32
        %parallel_loop3A_171 = vector.broadcast %parallel_loop3A_170 : f32 to vector<16xf32>
        %parallel_loop3A_172 = arith.divf %parallel_loop3A_171, %parallel_loop3A_169 : vector<16xf32>
        %parallel_loop3A_173 = arith.mulf %parallel_loop3A_98, %parallel_loop3A_165 : vector<16xf32>
        %parallel_loop3A_174 = arith.constant 1.000000e+00 : f32
        %parallel_loop3A_175 = vector.broadcast %parallel_loop3A_174 : f32 to vector<16xf32>
        %parallel_loop3A_176 = arith.subf %parallel_loop3A_175, %parallel_loop3A_162 : vector<16xf32>
        %parallel_loop3A_177 = arith.mulf %parallel_loop3A_173, %parallel_loop3A_176 : vector<16xf32>
        %parallel_loop3A_178 = arith.mulf %parallel_loop3A_108, %parallel_loop3A_168 : vector<16xf32>
        %parallel_loop3A_179 = arith.addf %parallel_loop3A_177, %parallel_loop3A_178 : vector<16xf32>
        %parallel_loop3A_180 = arith.mulf %parallel_loop3A_103, %parallel_loop3A_154 : vector<16xf32>
        %parallel_loop3A_181 = arith.addf %parallel_loop3A_93, %parallel_loop3A_180 : vector<16xf32>
        %parallel_loop3A_182 = arith.mulf %parallel_loop3A_154, %parallel_loop3A_181 : vector<16xf32>
        %parallel_loop3A_183 = arith.mulf %parallel_loop3A_179, %parallel_loop3A_172 : vector<16xf32>
        %parallel_loop3A_184 = arith.addf %parallel_loop3A_182, %parallel_loop3A_183 : vector<16xf32>
        %parallel_loop3A_185 = arith.constant 1 : i32
        %parallel_loop3A_186 = arith.index_cast %parallel_loop3A_185 : i32 to index
        %parallel_loop3A_187 = arith.index_cast %parallel_loop3A_88 : i32 to index
        %parallel_loop3A_188 = tpu.vector_load %arg12[%parallel_loop3A_186, %parallel_loop3A_187] {strides = array<i32>} : memref<8x2048xf32, #tpu.memory_space<vmem>>, vector<1x16xf32>,
        %parallel_loop3A_189 = vector.shape_cast %parallel_loop3A_188 : vector<1x16xf32> to vector<16xf32>
        %parallel_loop3A_190 = vector.shape_cast %parallel_loop3A_184 : vector<16xf32> to vector<1x16xf32>
        tpu.vector_store %arg12[%parallel_loop3A_186, %parallel_loop3A_187], %parallel_loop3A_190 {strides = array<i32>} : memref<8x2048xf32, #tpu.memory_space<vmem>>, vector<1x16xf32>,
        %parallel_loop3A_191 = arith.constant 2 : i32
        %parallel_loop3A_192 = arith.index_cast %parallel_loop3A_191 : i32 to index
        %parallel_loop3A_193 = arith.index_cast %parallel_loop3A_88 : i32 to index
        %parallel_loop3A_194 = tpu.vector_load %arg10[%parallel_loop3A_192, %parallel_loop3A_193] {strides = array<i32>} : memref<8x2048xf32, #tpu.memory_space<vmem>>, vector<1x16xf32>,
        %parallel_loop3A_195 = vector.shape_cast %parallel_loop3A_194 : vector<1x16xf32> to vector<16xf32>
        %parallel_loop3A_196 = arith.constant 0.000000e+00 : f32
        %parallel_loop3A_197 = vector.broadcast %parallel_loop3A_196 : f32 to vector<16xf32>
        %parallel_loop3A_198 = arith.subf %parallel_loop3A_197, %parallel_loop3A_195 : vector<16xf32>
        %parallel_loop3A_199 = math.exp %parallel_loop3A_198 : vector<16xf32>
        %parallel_loop3A_200 = arith.constant 1.000000e+09 : f32
        %parallel_loop3A_201 = vector.broadcast %parallel_loop3A_200 : f32 to vector<16xf32>
        %parallel_loop3A_202 = arith.minimumf %parallel_loop3A_199, %parallel_loop3A_201 : vector<16xf32>
        %parallel_loop3A_203 = arith.mulf %parallel_loop3A_202, %parallel_loop3A_202 : vector<16xf32>
        %parallel_loop3A_204 = arith.constant 1.000000e+00 : f32
        %parallel_loop3A_205 = vector.broadcast %parallel_loop3A_204 : f32 to vector<16xf32>
        %parallel_loop3A_206 = arith.addf %parallel_loop3A_205, %parallel_loop3A_202 : vector<16xf32>
        %parallel_loop3A_207 = arith.constant 1.000000e+00 : f32
        %parallel_loop3A_208 = vector.broadcast %parallel_loop3A_207 : f32 to vector<16xf32>
        %parallel_loop3A_209 = arith.addf %parallel_loop3A_208, %parallel_loop3A_203 : vector<16xf32>
        %parallel_loop3A_210 = arith.mulf %parallel_loop3A_206, %parallel_loop3A_209 : vector<16xf32>
        %parallel_loop3A_211 = arith.constant 1.000000e+00 : f32
        %parallel_loop3A_212 = vector.broadcast %parallel_loop3A_211 : f32 to vector<16xf32>
        %parallel_loop3A_213 = arith.divf %parallel_loop3A_212, %parallel_loop3A_210 : vector<16xf32>
        %parallel_loop3A_214 = arith.mulf %parallel_loop3A_98, %parallel_loop3A_206 : vector<16xf32>
        %parallel_loop3A_215 = arith.constant 1.000000e+00 : f32
        %parallel_loop3A_216 = vector.broadcast %parallel_loop3A_215 : f32 to vector<16xf32>
        %parallel_loop3A_217 = arith.subf %parallel_loop3A_216, %parallel_loop3A_203 : vector<16xf32>
        %parallel_loop3A_218 = arith.mulf %parallel_loop3A_214, %parallel_loop3A_217 : vector<16xf32>
        %parallel_loop3A_219 = arith.mulf %parallel_loop3A_108, %parallel_loop3A_209 : vector<16xf32>
        %parallel_loop3A_220 = arith.addf %parallel_loop3A_218, %parallel_loop3A_219 : vector<16xf32>
        %parallel_loop3A_221 = arith.mulf %parallel_loop3A_103, %parallel_loop3A_195 : vector<16xf32>
        %parallel_loop3A_222 = arith.addf %parallel_loop3A_93, %parallel_loop3A_221 : vector<16xf32>
        %parallel_loop3A_223 = arith.mulf %parallel_loop3A_195, %parallel_loop3A_222 : vector<16xf32>
        %parallel_loop3A_224 = arith.mulf %parallel_loop3A_220, %parallel_loop3A_213 : vector<16xf32>
        %parallel_loop3A_225 = arith.addf %parallel_loop3A_223, %parallel_loop3A_224 : vector<16xf32>
        %parallel_loop3A_226 = arith.constant 2 : i32
        %parallel_loop3A_227 = arith.index_cast %parallel_loop3A_226 : i32 to index
        %parallel_loop3A_228 = arith.index_cast %parallel_loop3A_88 : i32 to index
        %parallel_loop3A_229 = tpu.vector_load %arg12[%parallel_loop3A_227, %parallel_loop3A_228] {strides = array<i32>} : memref<8x2048xf32, #tpu.memory_space<vmem>>, vector<1x16xf32>,
        %parallel_loop3A_230 = vector.shape_cast %parallel_loop3A_229 : vector<1x16xf32> to vector<16xf32>
        %parallel_loop3A_231 = vector.shape_cast %parallel_loop3A_225 : vector<16xf32> to vector<1x16xf32>
        tpu.vector_store %arg12[%parallel_loop3A_227, %parallel_loop3A_228], %parallel_loop3A_231 {strides = array<i32>} : memref<8x2048xf32, #tpu.memory_space<vmem>>, vector<1x16xf32>,
        %parallel_loop3A_232 = arith.constant 3 : i32
        %parallel_loop3A_233 = arith.index_cast %parallel_loop3A_232 : i32 to index
        %parallel_loop3A_234 = arith.index_cast %parallel_loop3A_88 : i32 to index
        %parallel_loop3A_235 = tpu.vector_load %arg10[%parallel_loop3A_233, %parallel_loop3A_234] {strides = array<i32>} : memref<8x2048xf32, #tpu.memory_space<vmem>>, vector<1x16xf32>,
        %parallel_loop3A_236 = vector.shape_cast %parallel_loop3A_235 : vector<1x16xf32> to vector<16xf32>
        %parallel_loop3A_237 = arith.constant 0.000000e+00 : f32
        %parallel_loop3A_238 = vector.broadcast %parallel_loop3A_237 : f32 to vector<16xf32>
        %parallel_loop3A_239 = arith.subf %parallel_loop3A_238, %parallel_loop3A_236 : vector<16xf32>
        %parallel_loop3A_240 = math.exp %parallel_loop3A_239 : vector<16xf32>
        %parallel_loop3A_241 = arith.constant 1.000000e+09 : f32
        %parallel_loop3A_242 = vector.broadcast %parallel_loop3A_241 : f32 to vector<16xf32>
        %parallel_loop3A_243 = arith.minimumf %parallel_loop3A_240, %parallel_loop3A_242 : vector<16xf32>
        %parallel_loop3A_244 = arith.mulf %parallel_loop3A_243, %parallel_loop3A_243 : vector<16xf32>
        %parallel_loop3A_245 = arith.constant 1.000000e+00 : f32
        %parallel_loop3A_246 = vector.broadcast %parallel_loop3A_245 : f32 to vector<16xf32>
        %parallel_loop3A_247 = arith.addf %parallel_loop3A_246, %parallel_loop3A_243 : vector<16xf32>
        %parallel_loop3A_248 = arith.constant 1.000000e+00 : f32
        %parallel_loop3A_249 = vector.broadcast %parallel_loop3A_248 : f32 to vector<16xf32>
        %parallel_loop3A_250 = arith.addf %parallel_loop3A_249, %parallel_loop3A_244 : vector<16xf32>
        %parallel_loop3A_251 = arith.mulf %parallel_loop3A_247, %parallel_loop3A_250 : vector<16xf32>
        %parallel_loop3A_252 = arith.constant 1.000000e+00 : f32
        %parallel_loop3A_253 = vector.broadcast %parallel_loop3A_252 : f32 to vector<16xf32>
        %parallel_loop3A_254 = arith.divf %parallel_loop3A_253, %parallel_loop3A_251 : vector<16xf32>
        %parallel_loop3A_255 = arith.mulf %parallel_loop3A_98, %parallel_loop3A_247 : vector<16xf32>
        %parallel_loop3A_256 = arith.constant 1.000000e+00 : f32
        %parallel_loop3A_257 = vector.broadcast %parallel_loop3A_256 : f32 to vector<16xf32>
        %parallel_loop3A_258 = arith.subf %parallel_loop3A_257, %parallel_loop3A_244 : vector<16xf32>
        %parallel_loop3A_259 = arith.mulf %parallel_loop3A_255, %parallel_loop3A_258 : vector<16xf32>
        %parallel_loop3A_260 = arith.mulf %parallel_loop3A_108, %parallel_loop3A_250 : vector<16xf32>
        %parallel_loop3A_261 = arith.addf %parallel_loop3A_259, %parallel_loop3A_260 : vector<16xf32>
        %parallel_loop3A_262 = arith.mulf %parallel_loop3A_103, %parallel_loop3A_236 : vector<16xf32>
        %parallel_loop3A_263 = arith.addf %parallel_loop3A_93, %parallel_loop3A_262 : vector<16xf32>
        %parallel_loop3A_264 = arith.mulf %parallel_loop3A_236, %parallel_loop3A_263 : vector<16xf32>
        %parallel_loop3A_265 = arith.mulf %parallel_loop3A_261, %parallel_loop3A_254 : vector<16xf32>
        %parallel_loop3A_266 = arith.addf %parallel_loop3A_264, %parallel_loop3A_265 : vector<16xf32>
        %parallel_loop3A_267 = arith.constant 3 : i32
        %parallel_loop3A_268 = arith.index_cast %parallel_loop3A_267 : i32 to index
        %parallel_loop3A_269 = arith.index_cast %parallel_loop3A_88 : i32 to index
        %parallel_loop3A_270 = tpu.vector_load %arg12[%parallel_loop3A_268, %parallel_loop3A_269] {strides = array<i32>} : memref<8x2048xf32, #tpu.memory_space<vmem>>, vector<1x16xf32>,
        %parallel_loop3A_271 = vector.shape_cast %parallel_loop3A_270 : vector<1x16xf32> to vector<16xf32>
        %parallel_loop3A_272 = vector.shape_cast %parallel_loop3A_266 : vector<16xf32> to vector<1x16xf32>
        tpu.vector_store %arg12[%parallel_loop3A_268, %parallel_loop3A_269], %parallel_loop3A_272 {strides = array<i32>} : memref<8x2048xf32, #tpu.memory_space<vmem>>, vector<1x16xf32>,
        %parallel_loop3A_273 = arith.constant 4 : i32
        %parallel_loop3A_274 = arith.index_cast %parallel_loop3A_273 : i32 to index
        %parallel_loop3A_275 = arith.index_cast %parallel_loop3A_88 : i32 to index
        %parallel_loop3A_276 = tpu.vector_load %arg10[%parallel_loop3A_274, %parallel_loop3A_275] {strides = array<i32>} : memref<8x2048xf32, #tpu.memory_space<vmem>>, vector<1x16xf32>,
        %parallel_loop3A_277 = vector.shape_cast %parallel_loop3A_276 : vector<1x16xf32> to vector<16xf32>
        %parallel_loop3A_278 = arith.constant 0.000000e+00 : f32
        %parallel_loop3A_279 = vector.broadcast %parallel_loop3A_278 : f32 to vector<16xf32>
        %parallel_loop3A_280 = arith.subf %parallel_loop3A_279, %parallel_loop3A_277 : vector<16xf32>
        %parallel_loop3A_281 = math.exp %parallel_loop3A_280 : vector<16xf32>
        %parallel_loop3A_282 = arith.constant 1.000000e+09 : f32
        %parallel_loop3A_283 = vector.broadcast %parallel_loop3A_282 : f32 to vector<16xf32>
        %parallel_loop3A_284 = arith.minimumf %parallel_loop3A_281, %parallel_loop3A_283 : vector<16xf32>
        %parallel_loop3A_285 = arith.mulf %parallel_loop3A_284, %parallel_loop3A_284 : vector<16xf32>
        %parallel_loop3A_286 = arith.constant 1.000000e+00 : f32
        %parallel_loop3A_287 = vector.broadcast %parallel_loop3A_286 : f32 to vector<16xf32>
        %parallel_loop3A_288 = arith.addf %parallel_loop3A_287, %parallel_loop3A_284 : vector<16xf32>
        %parallel_loop3A_289 = arith.constant 1.000000e+00 : f32
        %parallel_loop3A_290 = vector.broadcast %parallel_loop3A_289 : f32 to vector<16xf32>
        %parallel_loop3A_291 = arith.addf %parallel_loop3A_290, %parallel_loop3A_285 : vector<16xf32>
        %parallel_loop3A_292 = arith.mulf %parallel_loop3A_288, %parallel_loop3A_291 : vector<16xf32>
        %parallel_loop3A_293 = arith.constant 1.000000e+00 : f32
        %parallel_loop3A_294 = vector.broadcast %parallel_loop3A_293 : f32 to vector<16xf32>
        %parallel_loop3A_295 = arith.divf %parallel_loop3A_294, %parallel_loop3A_292 : vector<16xf32>
        %parallel_loop3A_296 = arith.mulf %parallel_loop3A_98, %parallel_loop3A_288 : vector<16xf32>
        %parallel_loop3A_297 = arith.constant 1.000000e+00 : f32
        %parallel_loop3A_298 = vector.broadcast %parallel_loop3A_297 : f32 to vector<16xf32>
        %parallel_loop3A_299 = arith.subf %parallel_loop3A_298, %parallel_loop3A_285 : vector<16xf32>
        %parallel_loop3A_300 = arith.mulf %parallel_loop3A_296, %parallel_loop3A_299 : vector<16xf32>
        %parallel_loop3A_301 = arith.mulf %parallel_loop3A_108, %parallel_loop3A_291 : vector<16xf32>
        %parallel_loop3A_302 = arith.addf %parallel_loop3A_300, %parallel_loop3A_301 : vector<16xf32>
        %parallel_loop3A_303 = arith.mulf %parallel_loop3A_103, %parallel_loop3A_277 : vector<16xf32>
        %parallel_loop3A_304 = arith.addf %parallel_loop3A_93, %parallel_loop3A_303 : vector<16xf32>
        %parallel_loop3A_305 = arith.mulf %parallel_loop3A_277, %parallel_loop3A_304 : vector<16xf32>
        %parallel_loop3A_306 = arith.mulf %parallel_loop3A_302, %parallel_loop3A_295 : vector<16xf32>
        %parallel_loop3A_307 = arith.addf %parallel_loop3A_305, %parallel_loop3A_306 : vector<16xf32>
        %parallel_loop3A_308 = arith.constant 4 : i32
        %parallel_loop3A_309 = arith.index_cast %parallel_loop3A_308 : i32 to index
        %parallel_loop3A_310 = arith.index_cast %parallel_loop3A_88 : i32 to index
        %parallel_loop3A_311 = tpu.vector_load %arg12[%parallel_loop3A_309, %parallel_loop3A_310] {strides = array<i32>} : memref<8x2048xf32, #tpu.memory_space<vmem>>, vector<1x16xf32>,
        %parallel_loop3A_312 = vector.shape_cast %parallel_loop3A_311 : vector<1x16xf32> to vector<16xf32>
        %parallel_loop3A_313 = vector.shape_cast %parallel_loop3A_307 : vector<16xf32> to vector<1x16xf32>
        tpu.vector_store %arg12[%parallel_loop3A_309, %parallel_loop3A_310], %parallel_loop3A_313 {strides = array<i32>} : memref<8x2048xf32, #tpu.memory_space<vmem>>, vector<1x16xf32>,
        %parallel_loop3A_314 = arith.constant 5 : i32
        %parallel_loop3A_315 = arith.index_cast %parallel_loop3A_314 : i32 to index
        %parallel_loop3A_316 = arith.index_cast %parallel_loop3A_88 : i32 to index
        %parallel_loop3A_317 = tpu.vector_load %arg10[%parallel_loop3A_315, %parallel_loop3A_316] {strides = array<i32>} : memref<8x2048xf32, #tpu.memory_space<vmem>>, vector<1x16xf32>,
        %parallel_loop3A_318 = vector.shape_cast %parallel_loop3A_317 : vector<1x16xf32> to vector<16xf32>
        %parallel_loop3A_319 = arith.constant 0.000000e+00 : f32
        %parallel_loop3A_320 = vector.broadcast %parallel_loop3A_319 : f32 to vector<16xf32>
        %parallel_loop3A_321 = arith.subf %parallel_loop3A_320, %parallel_loop3A_318 : vector<16xf32>
        %parallel_loop3A_322 = math.exp %parallel_loop3A_321 : vector<16xf32>
        %parallel_loop3A_323 = arith.constant 1.000000e+09 : f32
        %parallel_loop3A_324 = vector.broadcast %parallel_loop3A_323 : f32 to vector<16xf32>
        %parallel_loop3A_325 = arith.minimumf %parallel_loop3A_322, %parallel_loop3A_324 : vector<16xf32>
        %parallel_loop3A_326 = arith.mulf %parallel_loop3A_325, %parallel_loop3A_325 : vector<16xf32>
        %parallel_loop3A_327 = arith.constant 1.000000e+00 : f32
        %parallel_loop3A_328 = vector.broadcast %parallel_loop3A_327 : f32 to vector<16xf32>
        %parallel_loop3A_329 = arith.addf %parallel_loop3A_328, %parallel_loop3A_325 : vector<16xf32>
        %parallel_loop3A_330 = arith.constant 1.000000e+00 : f32
        %parallel_loop3A_331 = vector.broadcast %parallel_loop3A_330 : f32 to vector<16xf32>
        %parallel_loop3A_332 = arith.addf %parallel_loop3A_331, %parallel_loop3A_326 : vector<16xf32>
        %parallel_loop3A_333 = arith.mulf %parallel_loop3A_329, %parallel_loop3A_332 : vector<16xf32>
        %parallel_loop3A_334 = arith.constant 1.000000e+00 : f32
        %parallel_loop3A_335 = vector.broadcast %parallel_loop3A_334 : f32 to vector<16xf32>
        %parallel_loop3A_336 = arith.divf %parallel_loop3A_335, %parallel_loop3A_333 : vector<16xf32>
        %parallel_loop3A_337 = arith.mulf %parallel_loop3A_98, %parallel_loop3A_329 : vector<16xf32>
        %parallel_loop3A_338 = arith.constant 1.000000e+00 : f32
        %parallel_loop3A_339 = vector.broadcast %parallel_loop3A_338 : f32 to vector<16xf32>
        %parallel_loop3A_340 = arith.subf %parallel_loop3A_339, %parallel_loop3A_326 : vector<16xf32>
        %parallel_loop3A_341 = arith.mulf %parallel_loop3A_337, %parallel_loop3A_340 : vector<16xf32>
        %parallel_loop3A_342 = arith.mulf %parallel_loop3A_108, %parallel_loop3A_332 : vector<16xf32>
        %parallel_loop3A_343 = arith.addf %parallel_loop3A_341, %parallel_loop3A_342 : vector<16xf32>
        %parallel_loop3A_344 = arith.mulf %parallel_loop3A_103, %parallel_loop3A_318 : vector<16xf32>
        %parallel_loop3A_345 = arith.addf %parallel_loop3A_93, %parallel_loop3A_344 : vector<16xf32>
        %parallel_loop3A_346 = arith.mulf %parallel_loop3A_318, %parallel_loop3A_345 : vector<16xf32>
        %parallel_loop3A_347 = arith.mulf %parallel_loop3A_343, %parallel_loop3A_336 : vector<16xf32>
        %parallel_loop3A_348 = arith.addf %parallel_loop3A_346, %parallel_loop3A_347 : vector<16xf32>
        %parallel_loop3A_349 = arith.constant 5 : i32
        %parallel_loop3A_350 = arith.index_cast %parallel_loop3A_349 : i32 to index
        %parallel_loop3A_351 = arith.index_cast %parallel_loop3A_88 : i32 to index
        %parallel_loop3A_352 = tpu.vector_load %arg12[%parallel_loop3A_350, %parallel_loop3A_351] {strides = array<i32>} : memref<8x2048xf32, #tpu.memory_space<vmem>>, vector<1x16xf32>,
        %parallel_loop3A_353 = vector.shape_cast %parallel_loop3A_352 : vector<1x16xf32> to vector<16xf32>
        %parallel_loop3A_354 = vector.shape_cast %parallel_loop3A_348 : vector<16xf32> to vector<1x16xf32>
        tpu.vector_store %arg12[%parallel_loop3A_350, %parallel_loop3A_351], %parallel_loop3A_354 {strides = array<i32>} : memref<8x2048xf32, #tpu.memory_space<vmem>>, vector<1x16xf32>,
        %parallel_loop3A_355 = arith.constant 6 : i32
        %parallel_loop3A_356 = arith.index_cast %parallel_loop3A_355 : i32 to index
        %parallel_loop3A_357 = arith.index_cast %parallel_loop3A_88 : i32 to index
        %parallel_loop3A_358 = tpu.vector_load %arg10[%parallel_loop3A_356, %parallel_loop3A_357] {strides = array<i32>} : memref<8x2048xf32, #tpu.memory_space<vmem>>, vector<1x16xf32>,
        %parallel_loop3A_359 = vector.shape_cast %parallel_loop3A_358 : vector<1x16xf32> to vector<16xf32>
        %parallel_loop3A_360 = arith.constant 0.000000e+00 : f32
        %parallel_loop3A_361 = vector.broadcast %parallel_loop3A_360 : f32 to vector<16xf32>
        %parallel_loop3A_362 = arith.subf %parallel_loop3A_361, %parallel_loop3A_359 : vector<16xf32>
        %parallel_loop3A_363 = math.exp %parallel_loop3A_362 : vector<16xf32>
        %parallel_loop3A_364 = arith.constant 1.000000e+09 : f32
        %parallel_loop3A_365 = vector.broadcast %parallel_loop3A_364 : f32 to vector<16xf32>
        %parallel_loop3A_366 = arith.minimumf %parallel_loop3A_363, %parallel_loop3A_365 : vector<16xf32>
        %parallel_loop3A_367 = arith.mulf %parallel_loop3A_366, %parallel_loop3A_366 : vector<16xf32>
        %parallel_loop3A_368 = arith.constant 1.000000e+00 : f32
        %parallel_loop3A_369 = vector.broadcast %parallel_loop3A_368 : f32 to vector<16xf32>
        %parallel_loop3A_370 = arith.addf %parallel_loop3A_369, %parallel_loop3A_366 : vector<16xf32>
        %parallel_loop3A_371 = arith.constant 1.000000e+00 : f32
        %parallel_loop3A_372 = vector.broadcast %parallel_loop3A_371 : f32 to vector<16xf32>
        %parallel_loop3A_373 = arith.addf %parallel_loop3A_372, %parallel_loop3A_367 : vector<16xf32>
        %parallel_loop3A_374 = arith.mulf %parallel_loop3A_370, %parallel_loop3A_373 : vector<16xf32>
        %parallel_loop3A_375 = arith.constant 1.000000e+00 : f32
        %parallel_loop3A_376 = vector.broadcast %parallel_loop3A_375 : f32 to vector<16xf32>
        %parallel_loop3A_377 = arith.divf %parallel_loop3A_376, %parallel_loop3A_374 : vector<16xf32>
        %parallel_loop3A_378 = arith.mulf %parallel_loop3A_98, %parallel_loop3A_370 : vector<16xf32>
        %parallel_loop3A_379 = arith.constant 1.000000e+00 : f32
        %parallel_loop3A_380 = vector.broadcast %parallel_loop3A_379 : f32 to vector<16xf32>
        %parallel_loop3A_381 = arith.subf %parallel_loop3A_380, %parallel_loop3A_367 : vector<16xf32>
        %parallel_loop3A_382 = arith.mulf %parallel_loop3A_378, %parallel_loop3A_381 : vector<16xf32>
        %parallel_loop3A_383 = arith.mulf %parallel_loop3A_108, %parallel_loop3A_373 : vector<16xf32>
        %parallel_loop3A_384 = arith.addf %parallel_loop3A_382, %parallel_loop3A_383 : vector<16xf32>
        %parallel_loop3A_385 = arith.mulf %parallel_loop3A_103, %parallel_loop3A_359 : vector<16xf32>
        %parallel_loop3A_386 = arith.addf %parallel_loop3A_93, %parallel_loop3A_385 : vector<16xf32>
        %parallel_loop3A_387 = arith.mulf %parallel_loop3A_359, %parallel_loop3A_386 : vector<16xf32>
        %parallel_loop3A_388 = arith.mulf %parallel_loop3A_384, %parallel_loop3A_377 : vector<16xf32>
        %parallel_loop3A_389 = arith.addf %parallel_loop3A_387, %parallel_loop3A_388 : vector<16xf32>
        %parallel_loop3A_390 = arith.constant 6 : i32
        %parallel_loop3A_391 = arith.index_cast %parallel_loop3A_390 : i32 to index
        %parallel_loop3A_392 = arith.index_cast %parallel_loop3A_88 : i32 to index
        %parallel_loop3A_393 = tpu.vector_load %arg12[%parallel_loop3A_391, %parallel_loop3A_392] {strides = array<i32>} : memref<8x2048xf32, #tpu.memory_space<vmem>>, vector<1x16xf32>,
        %parallel_loop3A_394 = vector.shape_cast %parallel_loop3A_393 : vector<1x16xf32> to vector<16xf32>
        %parallel_loop3A_395 = vector.shape_cast %parallel_loop3A_389 : vector<16xf32> to vector<1x16xf32>
        tpu.vector_store %arg12[%parallel_loop3A_391, %parallel_loop3A_392], %parallel_loop3A_395 {strides = array<i32>} : memref<8x2048xf32, #tpu.memory_space<vmem>>, vector<1x16xf32>,
        %parallel_loop3A_396 = arith.constant 7 : i32
        %parallel_loop3A_397 = arith.index_cast %parallel_loop3A_396 : i32 to index
        %parallel_loop3A_398 = arith.index_cast %parallel_loop3A_88 : i32 to index
        %parallel_loop3A_399 = tpu.vector_load %arg10[%parallel_loop3A_397, %parallel_loop3A_398] {strides = array<i32>} : memref<8x2048xf32, #tpu.memory_space<vmem>>, vector<1x16xf32>,
        %parallel_loop3A_400 = vector.shape_cast %parallel_loop3A_399 : vector<1x16xf32> to vector<16xf32>
        %parallel_loop3A_401 = arith.constant 0.000000e+00 : f32
        %parallel_loop3A_402 = vector.broadcast %parallel_loop3A_401 : f32 to vector<16xf32>
        %parallel_loop3A_403 = arith.subf %parallel_loop3A_402, %parallel_loop3A_400 : vector<16xf32>
        %parallel_loop3A_404 = math.exp %parallel_loop3A_403 : vector<16xf32>
        %parallel_loop3A_405 = arith.constant 1.000000e+09 : f32
        %parallel_loop3A_406 = vector.broadcast %parallel_loop3A_405 : f32 to vector<16xf32>
        %parallel_loop3A_407 = arith.minimumf %parallel_loop3A_404, %parallel_loop3A_406 : vector<16xf32>
        %parallel_loop3A_408 = arith.mulf %parallel_loop3A_407, %parallel_loop3A_407 : vector<16xf32>
        %parallel_loop3A_409 = arith.constant 1.000000e+00 : f32
        %parallel_loop3A_410 = vector.broadcast %parallel_loop3A_409 : f32 to vector<16xf32>
        %parallel_loop3A_411 = arith.addf %parallel_loop3A_410, %parallel_loop3A_407 : vector<16xf32>
        %parallel_loop3A_412 = arith.constant 1.000000e+00 : f32
        %parallel_loop3A_413 = vector.broadcast %parallel_loop3A_412 : f32 to vector<16xf32>
        %parallel_loop3A_414 = arith.addf %parallel_loop3A_413, %parallel_loop3A_408 : vector<16xf32>
        %parallel_loop3A_415 = arith.mulf %parallel_loop3A_411, %parallel_loop3A_414 : vector<16xf32>
        %parallel_loop3A_416 = arith.constant 1.000000e+00 : f32
        %parallel_loop3A_417 = vector.broadcast %parallel_loop3A_416 : f32 to vector<16xf32>
        %parallel_loop3A_418 = arith.divf %parallel_loop3A_417, %parallel_loop3A_415 : vector<16xf32>
        %parallel_loop3A_419 = arith.mulf %parallel_loop3A_98, %parallel_loop3A_411 : vector<16xf32>
        %parallel_loop3A_420 = arith.constant 1.000000e+00 : f32
        %parallel_loop3A_421 = vector.broadcast %parallel_loop3A_420 : f32 to vector<16xf32>
        %parallel_loop3A_422 = arith.subf %parallel_loop3A_421, %parallel_loop3A_408 : vector<16xf32>
        %parallel_loop3A_423 = arith.mulf %parallel_loop3A_419, %parallel_loop3A_422 : vector<16xf32>
        %parallel_loop3A_424 = arith.mulf %parallel_loop3A_108, %parallel_loop3A_414 : vector<16xf32>
        %parallel_loop3A_425 = arith.addf %parallel_loop3A_423, %parallel_loop3A_424 : vector<16xf32>
        %parallel_loop3A_426 = arith.mulf %parallel_loop3A_103, %parallel_loop3A_400 : vector<16xf32>
        %parallel_loop3A_427 = arith.addf %parallel_loop3A_93, %parallel_loop3A_426 : vector<16xf32>
        %parallel_loop3A_428 = arith.mulf %parallel_loop3A_400, %parallel_loop3A_427 : vector<16xf32>
        %parallel_loop3A_429 = arith.mulf %parallel_loop3A_425, %parallel_loop3A_418 : vector<16xf32>
        %parallel_loop3A_430 = arith.addf %parallel_loop3A_428, %parallel_loop3A_429 : vector<16xf32>
        %parallel_loop3A_431 = arith.constant 7 : i32
        %parallel_loop3A_432 = arith.index_cast %parallel_loop3A_431 : i32 to index
        %parallel_loop3A_433 = arith.index_cast %parallel_loop3A_88 : i32 to index
        %parallel_loop3A_434 = tpu.vector_load %arg12[%parallel_loop3A_432, %parallel_loop3A_433] {strides = array<i32>} : memref<8x2048xf32, #tpu.memory_space<vmem>>, vector<1x16xf32>,
        %parallel_loop3A_435 = vector.shape_cast %parallel_loop3A_434 : vector<1x16xf32> to vector<16xf32>
        %parallel_loop3A_436 = vector.shape_cast %parallel_loop3A_430 : vector<16xf32> to vector<1x16xf32>
        tpu.vector_store %arg12[%parallel_loop3A_432, %parallel_loop3A_433], %parallel_loop3A_436 {strides = array<i32>} : memref<8x2048xf32, #tpu.memory_space<vmem>>, vector<1x16xf32>,
      } {sc.loop_unroll_factor = 1 : i64, sc.parallel_access}
      %mul3A_79 = arith.constant 8 : i32
      %mul3A_80 = arith.muli %add3A_32, %mul3A_79 : i32
      %add3A_81 = arith.addi %mul3A_2, %mul3A_80 : i32
      %dma_start3A_82 = arith.constant 0 : i32
      %dma_start3A_83 = tpu.memref_slice %arg5[%add3A_81, %dma_start3A_82] : memref<8192x2048xf32, #tpu.memory_space<hbm>> -> memref<8x2048xf32, #tpu.memory_space<hbm>>
      %dma_start3A_84 = arith.constant 0 : i32
      %dma_start3A_85 = tpu.memref_slice %arg5[%add3A_81, %dma_start3A_84] : memref<8192x2048xf32, #tpu.memory_space<hbm>> -> memref<8x2048xf32, #tpu.memory_space<hbm>>
      tpu.enqueue_dma source(%arg12 : memref<8x2048xf32, #tpu.memory_space<vmem>>) target(%dma_start3A_85 : memref<8x2048xf32, #tpu.memory_space<hbm>>) target_semaphore(%arg16 : memref<!tpu.dma_semaphore, #tpu.memory_space<semaphore_mem>>)
    }
    %scan3A_16 = arith.constant 16 : i32
    %add3A_17 = arith.constant 240 : i32
    %add3A_18 = arith.addi %mul3A_2, %add3A_17 : i32
    %dma_wait3A = arith.constant 0 : i32
    %dma_wait3A_19 = tpu.memref_slice %arg5[%add3A_18, %dma_wait3A] : memref<8192x2048xf32, #tpu.memory_space<hbm>> -> memref<8x2048xf32, #tpu.memory_space<hbm>>
    %dma_wait3A_20 = arith.constant 0 : i32
    %dma_wait3A_21 = tpu.memref_slice %arg5[%add3A_18, %dma_wait3A_20] : memref<8192x2048xf32, #tpu.memory_space<hbm>> -> memref<8x2048xf32, #tpu.memory_space<hbm>>
    tpu.wait_dma2 semaphore(%arg15 : memref<!tpu.dma_semaphore, #tpu.memory_space<semaphore_mem>>) src(%arg11 : memref<8x2048xf32, #tpu.memory_space<vmem>>) dst(%dma_wait3A_21 : memref<8x2048xf32, #tpu.memory_space<hbm>>)
    %add3A_22 = arith.constant 248 : i32
    %add3A_23 = arith.addi %mul3A_2, %add3A_22 : i32
    %dma_wait3A_24 = arith.constant 0 : i32
    %dma_wait3A_25 = tpu.memref_slice %arg5[%add3A_23, %dma_wait3A_24] : memref<8192x2048xf32, #tpu.memory_space<hbm>> -> memref<8x2048xf32, #tpu.memory_space<hbm>>
    %dma_wait3A_26 = arith.constant 0 : i32
    %dma_wait3A_27 = tpu.memref_slice %arg5[%add3A_23, %dma_wait3A_26] : memref<8192x2048xf32, #tpu.memory_space<hbm>> -> memref<8x2048xf32, #tpu.memory_space<hbm>>
    tpu.wait_dma2 semaphore(%arg16 : memref<!tpu.dma_semaphore, #tpu.memory_space<semaphore_mem>>) src(%arg12 : memref<8x2048xf32, #tpu.memory_space<vmem>>) dst(%dma_wait3A_27 : memref<8x2048xf32, #tpu.memory_space<hbm>>)
    return
  }
}

</mosaic_0001>

<sc_bundles>
// kernel: kernel.3.cloned.1.call-start
scs
__scs_entry_jumppad:
0x0: {  	(pc) =	sbr.rel $0x88, $3  }
0x1: {  	(tag) =	ssettag $0x0;
	lr =	simm.s32 $0x1  }
0x2: {  	[smem:$0x3F9E] =	sst lr;
	_ =	strace $0xD0000000  }
0x3: {  	_ = 	snop  }
0x4: {  	_ = 	snop  }
0x5: {  	_ = 	snop  }
0x6: {  	_ = 	snop  }
0x7: {  	_ = 	snop  }
__scs_overlays_trampoline_lowered:
0x8: {  	[smem:$0x3FAD] =	sst s0  }
0x9: {  	[smem:$0x3FAE] =	sst s1  }
0xa: {  	[smem:$0x3FAF] =	sst s2  }
0xb: {  	[smem:$0x3FB0] =	sst s3  }
0xc: {  	[smem:$0x3FB1] =	sst s4  }
0xd: {  	[smem:$0x3FB2] =	sst s5  }
0xe: {  	[smem:$0x3FB3] =	sst s6  }
0xf: {  	[smem:$0x3FB4] =	sst s7  }
0x10: {  	[smem:$0x3FB5] =	sst s8  }
0x11: {  	[smem:$0x3FB6] =	sst s9;
	s0 =	simm.s32 @!p0 $0x0  }
0x12: {  	s1 =	sld [smem:$0x3F9C];
	s0 =	simm.s32 @p0 $0x1  }
0x13: {  	[smem:$0x3FB7] =	sst s0;
	s0 =	simm.s32 @!p1 $0x0  }
0x14: {  	s2 =	sld [smem:$0x3F9B];
	s0 =	simm.s32 @p1 $0x1  }
0x15: {  	[smem:$0x3FB8] =	sst s0;
	s0 =	simm.s32 @!p2 $0x0  }
0x16: {  	s3 =	sld [smem:$0x3FDB];
	s0 =	simm.s32 @p2 $0x1  }
0x17: {  	s4 =	simm.s32 $0x1BF5;
	[smem:$0x3FBA] =	sst s0  }
0x18: {  	s0 =	sld [smem:$0x3F9D];
	_ =	swait.ge [sflag:s4], $0x0  }
0x19: {  	s7 =	sld [smem:$0x3F9E]  }
0x1a: {  	s8 =	sadd.s32 $0xFFFFE003, lr  }
0x1b: {  	s9 =	sadd.s32 $0xFFFFFEF7, lr;
	s5 =	simm.s32 $0xFFFFFFFF;
	p2 =	slt.u32 s8, $0xFFFFF086  }
0x1c: {  	p1 =	slt.u32 s9, $0xF7A;
	s5 =	simm.s32 @!p2 $0x0  }
0x1d: {  	s5 =	simm.s32 @p1 $0x1;
	p0 =	seq.s32 s7, s2  }
0x1e: {  	s7 =	smul.u32 @!p0 $0xF7A, s2;
	p2 =	seq.s32 @!p0 s5, $0x0  }
0x1f: {  	s9 =	smul.u32 $0xF7A, s1;
	s8 =	simm.s32 @!p0 $0x1BF5;
	p2 =	por !p2, p0  }
0x20: {  	[sflag:s8] =	ssyncset.s32 @!p0 $0xFFFFF086;
	s6 =	sadd.s32 @!p0 s3, s7;
	s7 =	simm.s32 @!p0 $0x108  }
0x21: {  	s3 =	sadd.s32 s3, s9;
	s6 =	sadd.s32 @!p0 $0x88, s6;
	s7 =	simm.s32 @p2 $0x1082  }
0x22: {  	[simem:s7], [sflag:s8] =	dma.local @!p0 [hbm:s6], $0xF7A  }
0x23: {  	s9 =	sor.u32 $0xD0000000, s2;
	s6 =	simm.s32 $0x108;
	_ =	swait.ge @!p0 [sflag:s8], $0x0  }
0x24: {  	s3 =	sadd.s32 $0x88, s3;
	s6 =	simm.s32 @!p1 $0x1082;
	[sflag:s4] =	ssyncset.s32 $0xFFFFF086  }
0x25: {  	[simem:s6], [sflag:s4] =	dma.local [hbm:s3], $0xF7A  }
0x26: {  	[smem:$0x3F9E] =	sst s1;
	(tag) =	ssettag s2;
	_ =	strace s9  }
0x27: {  	s1 =	sld [smem:$0x3FAE]  }
0x28: {  	s2 =	sld [smem:$0x3FAF]  }
0x29: {  	s4 =	sld [smem:$0x3FB1]  }
0x2a: {  	p0 =	seq.s32 s5, $0x0;
	s5 =	sld [smem:$0x3FB2]  }
0x2b: {  	s6 =	sld [smem:$0x3FB3]  }
0x2c: {  	s7 =	sld [smem:$0x3FB4]  }
0x2d: {  	s3 =	simm.s32 $0x108;
	s8 =	sld [smem:$0x3FB5]  }
0x2e: {  	s3 =	simm.s32 @!p0 $0x1082;
	s9 =	sld [smem:$0x3FB6]  }
0x2f: {  	lr =	sadd.s32 s0, s3;
	s0 =	sld [smem:$0x3FAD]  }
0x30: {  	s3 =	sld [smem:$0x3FB0]  }
0x31: {  	[smem:$0x3FB9] =	sst s10  }
0x32: {  	s10 =	sld [smem:$0x3FB7];
	_ =	sdelay $0x3  }
0x33: {  	p0 =	seq.s32 s10, $0x1;
	s10 =	sld [smem:$0x3FB9];
	_ =	sdelay $0x3  }
0x34: {  	[smem:$0x3FB9] =	sst s10  }
0x35: {  	s10 =	sld [smem:$0x3FB8];
	_ =	sdelay $0x3  }
0x36: {  	p1 =	seq.s32 s10, $0x1;
	s10 =	sld [smem:$0x3FB9];
	_ =	sdelay $0x3  }
0x37: {  	[smem:$0x3FB9] =	sst s10  }
0x38: {  	s10 =	sld [smem:$0x3FBA]  }
0x39: {  	_ = 	snop;
	(pc) =	sbr.ind lr, $3  }
0x3a: {  	_ = 	snop  }
0x3b: {  	_ = 	snop  }
0x3c: {  	p2 =	seq.s32 s10, $0x1;
	s10 =	sld [smem:$0x3FB9]  }
0x3d: {  	_ =	shalt  }
0x3e: {  	_ =	shalt  }
0x3f: {  	_ =	shalt  }
0x40: {  	_ =	shalt  }
0x41: {  	_ =	shalt  }
0x42: {  	_ =	shalt  }
0x43: {  	_ =	shalt  }
0x44: {  	_ =	shalt  }
0x45: {  	_ =	shalt  }
0x46: {  	_ =	shalt  }
0x47: {  	_ =	shalt  }
0x48: {  	_ =	shalt  }
0x49: {  	_ =	shalt  }
0x4a: {  	_ =	shalt  }
0x4b: {  	_ =	shalt  }
0x4c: {  	_ =	shalt  }
0x4d: {  	_ =	shalt  }
0x4e: {  	_ =	shalt  }
0x4f: {  	_ =	shalt  }
0x50: {  	_ =	shalt  }
0x51: {  	_ =	shalt  }
0x52: {  	_ =	shalt  }
0x53: {  	_ =	shalt  }
0x54: {  	_ =	shalt  }
0x55: {  	_ =	shalt  }
0x56: {  	_ =	shalt  }
0x57: {  	_ =	shalt  }
0x58: {  	_ =	shalt  }
0x59: {  	_ =	shalt  }
0x5a: {  	_ =	shalt  }
0x5b: {  	_ =	shalt  }
0x5c: {  	_ =	shalt  }
0x5d: {  	_ =	shalt  }
0x5e: {  	_ =	shalt  }
0x5f: {  	_ =	shalt  }
0x60: {  	_ =	shalt  }
0x61: {  	_ =	shalt  }
0x62: {  	_ =	shalt  }
0x63: {  	_ =	shalt  }
0x64: {  	_ =	shalt  }
0x65: {  	_ =	shalt  }
0x66: {  	_ =	shalt  }
0x67: {  	_ =	shalt  }
0x68: {  	_ =	shalt  }
0x69: {  	_ =	shalt  }
0x6a: {  	_ =	shalt  }
0x6b: {  	_ =	shalt  }
0x6c: {  	_ =	shalt  }
0x6d: {  	_ =	shalt  }
0x6e: {  	_ =	shalt  }
0x6f: {  	_ =	shalt  }
0x70: {  	_ =	shalt  }
0x71: {  	_ =	shalt  }
0x72: {  	_ =	shalt  }
0x73: {  	_ =	shalt  }
0x74: {  	_ =	shalt  }
0x75: {  	_ =	shalt  }
0x76: {  	_ =	shalt  }
0x77: {  	_ =	shalt  }
0x78: {  	_ =	shalt  }
0x79: {  	_ =	shalt  }
0x7a: {  	_ =	shalt  }
0x7b: {  	_ =	shalt  }
0x7c: {  	_ =	shalt  }
0x7d: {  	_ =	shalt  }
0x7e: {  	_ =	shalt  }
0x7f: {  	_ =	shalt  }
0x80: {  	_ =	shalt  }
0x81: {  	_ =	shalt  }
0x82: {  	_ =	shalt  }
0x83: {  	_ =	shalt  }
0x84: {  	_ =	shalt  }
0x85: {  	_ =	shalt  }
0x86: {  	_ =	shalt  }
0x87: {  	_ =	shalt  }
.Lfunc_end0:
.L_simem_size_0:
called_computation_lowered:
.L_overlay_start_0:
0x88: {  	s2 =	sld [smem:$0x3FD9]  }
0x89: {  	s3 =	sld [smem:$0x3FFE];
	_ =	sdelay $0x1  }
0x8a: {  	s1 =	srdreg.scid  }
0x8b: {  	s0 =	sand.u32 $0x1, s1  }
0x8c: {  	s18 =	sshll.u32 s0, $0xA;
	s2 =	sadd.s32 s3, s2  }
0x8d: {  	s2 =	sadd.s32 s2, s18  }
0x8e: {  	[smem:$0x3FC5] =	sst s2  }
0x8f: {  	_ = 	snop  }
0x90: {  	s2 =	sld [smem:$0x3FC9]  }
0x91: {  	s19 =	sld [smem:$0x3FC8]  }
0x92: {  	s4 =	sld [smem:$0x3FC7]  }
0x93: {  	s5 =	sld [smem:$0x3FD0];
	(tm) =	ssettm $0x1  }
0x94: {  	s6 =	sld [smem:$0x3FFB];
	_ =	sdelay $0x3  }
0x95: {  	_ =	strace s6  }
0x96: {  	s6 =	sld [smem:$0x3FFC];
	_ =	sdelay $0x3  }
0x97: {  	_ =	strace s6  }
0x98: {  	s6 =	sld [smem:$0x3FFD];
	_ =	sdelay $0x3  }
0x99: {  	_ =	strace s6  }
0x9a: {  	_ =	strace $0x8FFFFFFF  }
0x9b: {  	s20 =	sld [smem:$0x3FDB];
	_ =	sdelay $0x1  }
0x9c: {  	s7 =	simm.s32 $_scs_section_size  }
0x9d: {  	s8 =	simm.s32 $_size__tile_overlayer_lowered;
	s9 =	simm.s32 $_tile_overlayer_lowered  }
0x9e: {  	s23 =	simm.s32 $0x1BFF;
	s22 =	sshll.u32 s9, $0x1;
	s6 =	sadd.s32 s7, s20  }
0x9f: {  	s10 =	simm.s32 $0x0;
	s21 =	sshll.u32 s8, $0x1;
	s8 =	sadd.s32 s22, s6  }
0xa0: {  	[timem:s10], [sflag:s23] =	dma.local [hbm:s8], s21  }
0xa1: {  	_ =	swait.ge [sflag:s23], s21  }
0xa2: {  	s7 =	ssub.s32 $0x0, s21;
	[sflag:s23] =	ssyncset.done $0x0  }
0xa3: {  	[sflag:s23] =	ssyncadd.s32 s7;
	_ =	sdelay $0x1  }
0xa4: {  	s24 =	simm.s32 $0x1B8B  }
0xa5: {  	_ =	swait.ge [sflag:s24], $0x1  }
0xa6: {  	[sflag:s24] =	ssyncset.done $0x0  }
0xa7: {  	s25 =	simm.s32 $0x1B8E;
	[sflag:s24] =	ssyncadd.s32 $0xFFFFFFFF  }
0xa8: {  	s26 =	simm.s32 $execute0_lowered;
	[smem:$0x3FD2] =	sst s25  }
0xa9: {  	s7 =	sshll.u32 s26, $0x1;
	_ =	strace $0x80000046;
	[dreg:$0x1] =	wrdreg $0xFFFFFFFF  }
0xaa: {  	s28 =	simm.s32 $_size_execute0_lowered;
	s6 =	sadd.s32 s6, s7;
	[dreg:$0x0] =	wrdreg $0x0  }
0xab: {  	s7 =	sshll.u32 s28, $0x1;
	[dreg:$0x2] =	wrdreg s6  }
0xac: {  	[dreg:$0x3] =	wrdreg s7  }
0xad: {  	[dreg:$0x4] =	wrdreg $0xC0  }
0xae: {  	_ =	task [dreg:s10], $0x5FFFF  }
0xaf: {  	[dreg:$0x1] =	wrdreg $0xFFFFFFFF  }
0xb0: {  	[dreg:$0x0] =	wrdreg $0x60  }
0xb1: {  	[dreg:$0x2] =	wrdreg s2  }
0xb2: {  	[dreg:$0x3] =	wrdreg s19  }
0xb3: {  	[dreg:$0x4] =	wrdreg s4  }
0xb4: {  	[dreg:$0x5] =	wrdreg s5  }
0xb5: {  	[dreg:$0x6] =	wrdreg $0x9  }
0xb6: {  	_ =	task.clear_ibuf [dreg:s10], $0x7FFFF;
	_ =	strace $0x90000046  }
0xb7: {  	s29 =	simm.s32 $0x9;
	_ =	strace $0x80000048  }
0xb8: {  	_ =	swait.ge [sflag:s29], $0x1  }
0xb9: {  	[sflag:s29] =	ssyncadd.s32 $0xFFFFFFFF  }
0xba: {  	_ =	strace $0x90000048  }
0xbb: {  	_ =	sfence  }
0xbc: {  	s30 =	sld [smem:$0x0];
	_ =	sdelay $0x2  }
0xbd: {  	s31 =	sshll.u32 s1, $0xD;
	s1 =	sshrl.u32 s1, $0x2  }
0xbe: {  	s3 =	sand.u32 $0x4000, s31;
	s1 =	sadd.s32 s1, s30  }
0xbf: {  	s0 =	sor.u32 s3, s0;
	s1 =	sshll.u32 s1, $0x11  }
0xc0: {  	s0 =	sor.u32 s1, s0  }
0xc1: {  	s0 =	sadd.s32 $0x8F2B, s0  }
0xc2: {  	[sflag:s0] =	ssyncadd.remote.s32 $0x1  }
0xc3: {  	_ =	sfence.sel $0xFFFF  }
0xc4: {  	[dreg:$0x0] =	wrdreg $0xFFFFFFFF;
	(pc) =	sbr.abs _section_cstart, $3  }
0xc5: {  	[dreg:$0x1] =	wrdreg $0xFFFFFFFF  }
0xc6: {  	_ =	task.clear_ibuf [dreg:s10], $0x2FFFF;
	_ =	strace $0x9FFFFFFF  }
0xc7: {  	(tm) =	ssettm $0x7FFFFFFF  }
tec
execute0_lowered:
.L_overlay_start_1:
0x0: {  	(tag) =	ssettag $0x1  }
0x1: {  	s1 =	rddreg [dreg:$0x0]  }
0x2: {  	s5 =	rddreg [dreg:$0x3];
	s0 =	srdreg.scid  }
0x3: {  	s6 =	simm.s32 $0x0;
	s3 =	stileid.u32;
	s12 =	simm.s32 $0x4800  }
0x4: {  	s13 =	simm.s32 $0x5;
	s14 =	simm.s32 $0x2000;
	s15 =	simm.s32 $0x8800  }
0x5: {  	s16 =	simm.s32 $0x1;
	s17 =	simm.s32 $0xC800;
	s18 =	simm.s32 $0x2  }
0x6: {  	s19 =	simm.s32 $0x4;
	s20 =	simm.s32 $0x10800;
	s21 =	simm.s32 $0x3  }
0x7: {  	s22 =	simm.s32 $0x0;
	s0 =	sand.u32 $0x1, s0;
	s3 =	sshll.u32 s3, $0x9  }
0x8: {  	[smem:$0x7FF] =	sst s6;
	s2 =	ssub.s32 $0x2, s0;
	s0 =	sshll.u32 s0, $0x8  }
0x9: {  	_ =	strace $0x80000047;
	s4 =	sshrl.u32 s2, $0x1;
	s7 =	sor.u32 s0, s3  }
0xa: {  	s30 =	ssub.s32 s2, s4;
	s31 =	sshll.u32 s7, $0x8;
	s10 =	sor.u32 $0x10, s7  }
0xb: {  	s8 =	sadd.s32 s1, s31;
	s9 =	sadd.s32 s5, s31;
	s11 =	smax.u32 s30, $0x1  }
.LBB2_1:
0xc: {  	[tilespmem:s12], [sflag:$0x1] =	stream.linear.gather [hbm4b:s8+s6], $0x4000, $0x38;
	[tilespmem:$0x14800] =	vst v63  }
0xd: {  	s0 =	rddreg [dreg:$0x2]  }
0xe: {  	[tilespmem:s6], [sflag:$0x5] =	stream.linear.gather [hbm4b:s0+s6], $0x2000, $0x38;
	[tilespmem:$0x14800] =	vst v63  }
0xf: {  	_ =	swait.ge [sflag:s13], $0x2000  }
0x10: {  	[sflag:s13] =	ssyncset.done $0x0  }
0x11: {  	[sflag:s13] =	ssyncadd.s32 $0xFFFFE000  }
0x12: {  	s3 =	rddreg [dreg:$0x1]  }
0x13: {  	[tilespmem:s14], [sflag:$0x5] =	stream.linear.gather [hbm4b:s3+s6], $0x800, $0x38;
	[tilespmem:$0x14800] =	vst v63  }
0x14: {  	_ =	swait.ge [sflag:s13], $0x800  }
0x15: {  	s4 =	sand.u32 $0x70, s6;
	s2 =	sand.u32 $0x1E00, s6;
	[sflag:s13] =	ssyncset.done $0x0  }
0x16: {  	s26 =	sor.u32 s4, s2;
	[sflag:s13] =	ssyncadd.s32 $0xFFFFF800  }
0x17: {  	v0 =	vld [tilespmem:s26+$0x0]  }
0x18: {  	v1 =	vld [tilespmem:s26+$0x80]  }
0x19: {  	v2 =	vld [tilespmem:s26+$0x100]  }
0x1a: {  	v3 =	vld [tilespmem:s26+$0x180];
	_ =	sdelay $0x4  }
0x1b: {  	v4 =	vmax.f32 v0, v1;
	v5 =	vmax.f32 v2, v3  }
0x1c: {  	v4 =	vmax.f32 v4, v5  }
0x1d: {  	s23 =	simm.s32 $0x10;
	s28 =	simm.s32 $0x40;
	v0 =	vsub.f32 v0, v4  }
0x1e: {  	s24 =	sand.u32 $0x1E00, s28;
	s0 =	sand.u32 $0x70, s23;
	v1 =	vsub.f32 v1, v4  }
0x1f: {  	s23 =	sor.u32 s0, s24;
	v3 =	vsub.f32 v3, v4;
	v0 =	vmul.f32 $1.442695020e+00, v0  }
0x20: {  	v6 =	vld [tilespmem:s23+$0x100];
	v2 =	vsub.f32 v2, v4;
	v1 =	vmul.f32 $1.442695020e+00, v1  }
0x21: {  	v5 =	vld [tilespmem:s23+$0x0];
	v3 =	vmul.f32 $1.442695020e+00, v3;
	(erf) = vpow2.f32 v0  }
0x22: {  	v4 =	vld [tilespmem:s23+$0x80];
	v0 =	vmul.f32 $1.442695020e+00, v2;
	(erf) = vpow2.f32 v1  }
0x23: {  	v2 =	vld [tilespmem:s23+$0x180];
	(erf) = vpow2.f32 v3  }
0x24: {  	(erf) = vpow2.f32 v0;
	_ =	sdelay $0x2  }
0x25: {  	v0 =	vmax.f32 v5, v4  }
0x26: {  	s25 =	simm.s32 $0x20;
	s24 =	simm.s32 $0x80;
	v1 =	vmax.f32 v6, v2  }
0x27: {  	s0 =	sand.u32 $0x70, s25;
	s30 =	sand.u32 $0x1E00, s24;
	v3 =	vmax.f32 v0, v1  }
0x28: {  	s0 =	sor.u32 s0, s30;
	v5 =	vsub.f32 v5, v3;
	v0 =	vpop (erf)  }
0x29: {  	v8 =	vld [tilespmem:s0+$0x0];
	v4 =	vsub.f32 v4, v3;
	v1 =	vpop (erf)  }
0x2a: {  	v10 =	vld [tilespmem:s0+$0x80];
	v7 =	vsub.f32 v2, v3;
	v5 =	vmul.f32 $1.442695020e+00, v5;
	v9 =	vadd.f32 v1, v0;
	v2 =	vpop (erf)  }
0x2b: {  	v11 =	vld [tilespmem:s0+$0x100];
	v6 =	vsub.f32 v6, v3;
	v4 =	vmul.f32 $1.442695020e+00, v4;
	v3 =	vpop (erf)  }
0x2c: {  	v7 =	vmul.f32 $1.442695020e+00, v7;
	(erf) = vpow2.f32 v5;
	v5 =	vadd.f32 v9, v3;
	v9 =	vld [tilespmem:s0+$0x180]  }
0x2d: {  	v6 =	vmul.f32 $1.442695020e+00, v6;
	(erf) = vpow2.f32 v4  }
0x2e: {  	(erf) = vpow2.f32 v7  }
0x2f: {  	(erf) = vpow2.f32 v6;
	v4 =	vadd.f32 v5, v2;
	_ =	sdelay $0x1  }
0x30: {  	(erf) = vrcp.f32 v4;
	v4 =	vmax.f32 v8, v10;
	v5 =	vmax.f32 v11, v9  }
0x31: {  	v7 =	vmax.f32 v4, v5  }
0x32: {  	v6 =	vsub.f32 v8, v7;
	_ =	sdelay $0x1  }
0x33: {  	s31 =	simm.s32 $0x30;
	s29 =	simm.s32 $0xC0;
	v4 =	vpop (erf)  }
0x34: {  	s2 =	sand.u32 $0x70, s31;
	s4 =	sand.u32 $0x1E00, s29;
	s3 =	simm.s32 $0x0;
	v8 =	vsub.f32 v10, v7;
	v12 =	vsub.f32 v9, v7;
	v5 =	vpop (erf)  }
0x35: {  	s25 =	sor.u32 s2, s4;
	v14 =	vld [tilespmem:s3+$0x2000];
	v11 =	vsub.f32 v11, v7;
	v10 =	vmul.f32 $1.442695020e+00, v6;
	v13 =	vadd.f32 v5, v4;
	v6 =	vpop (erf)  }
0x36: {  	v9 =	vld [tilespmem:s25+$0x0];
	v8 =	vmul.f32 $1.442695020e+00, v8;
	v12 =	vmul.f32 $1.442695020e+00, v12;
	v7 =	vpop (erf)  }
0x37: {  	v15 =	vmul.f32 $1.442695020e+00, v11;
	v11 =	vld [tilespmem:s25+$0x180];
	(erf) = vpow2.f32 v10;
	v13 =	vadd.f32 v13, v7  }
0x38: {  	v10 =	vld [tilespmem:s25+$0x80];
	(erf) = vpow2.f32 v8  }
0x39: {  	v8 =	vld [tilespmem:s25+$0x100];
	v16 =	vpop (erf);
	(erf) = vpow2.f32 v12;
	v13 =	vadd.f32 v13, v6  }
0x3a: {  	s2 =	simm.s32 $0x40;
	s4 =	simm.s32 $0xC0;
	(erf) = vpow2.f32 v15;
	v12 =	vmul.f32 v16, v14  }
.LBB2_2:
0x3b: {  	p0 =	sne.s32 s2, $0x7F0;
	(erf) = vrcp.f32 v13  }
0x3c: {  	v13 =	vmul.f32 v12, v0;
	v14 =	vmul.f32 v12, v1;
	v0 =	vmovc v4;
	v1 =	vmov v5  }
0x3d: {  	v5 =	vmul.f32 v12, v3;
	v12 =	vmul.f32 v12, v2;
	v2 =	vmovc v6;
	v3 =	vmov v7  }
0x3e: {  	v15 =	vmax.f32 v9, v10;
	v6 =	vmax.f32 v8, v11;
	[tilespmem:s26+$0x2800] =	vst v13  }
0x3f: {  	v7 =	vmax.f32 v15, v6;
	[tilespmem:s26+$0x2880] =	vst v14  }
0x40: {  	s29 =	sadd.s32 $0x40, s29;
	v9 =	vsub.f32 v9, v7;
	v4 =	vpop (erf);
	[tilespmem:s26+$0x2900] =	vst v5  }
0x41: {  	s3 =	sand.u32 $0x70, s2;
	s28 =	sshra.s32 s28, $0x2;
	s30 =	sand.u32 $0x1E00, s29;
	v10 =	vsub.f32 v10, v7;
	v5 =	vpop (erf);
	[tilespmem:s26+$0x2980] =	vst v12  }
0x42: {  	s3 =	sor.u32 s3, s30;
	v11 =	vsub.f32 v11, v7;
	v12 =	vmul.f32 $1.442695020e+00, v9;
	v13 =	vadd.f32 v5, v4;
	v6 =	vpop (erf);
	v14 =	vld [tilespmem:s28+$0x2000];
	s28 =	smov.u32 s24;
	s24 =	smov.u32 s4  }
.Ltmp0:
0x43: {  	v16 =	vsub.f32 v8, v7;
	s26 =	smov.u32 s23;
	v15 =	vmul.f32 $1.442695020e+00, v10;
	s4 =	smov.u32 s29;
	v9 =	vld [tilespmem:s3+$0x0];
	v7 =	vpop (erf);
	(pc) =	sbr.rel @p0 .LBB2_2-.Ltmp0, $4  }
0x44: {  	s23 =	smov.u32 s0;
	s0 =	smov.u32 s25;
	s25 =	smov.u32 s3;
	v17 =	vmul.f32 $1.442695020e+00, v11;
	v10 =	vld [tilespmem:s3+$0x80];
	(erf) = vpow2.f32 v12;
	v12 =	vadd.f32 v13, v7;
	v18 =	vpop (erf)  }
0x45: {  	v16 =	vmul.f32 $1.442695020e+00, v16;
	v8 =	vld [tilespmem:s25+$0x100];
	(erf) = vpow2.f32 v15  }
0x46: {  	v11 =	vld [tilespmem:s25+$0x180];
	(erf) = vpow2.f32 v17;
	v13 =	vadd.f32 v12, v6  }
0x47: {  	s2 =	sadd.s32 $0x10, s2;
	(erf) = vpow2.f32 v16;
	v12 =	vmul.f32 v18, v14  }
0x48: {  	_ = 	snop  }
0x49: {  	v0 =	vmul.f32 v12, v0  }
0x4a: {  	(erf) = vrcp.f32 v13;
	v1 =	vmul.f32 v12, v1  }
0x4b: {  	v3 =	vmul.f32 v12, v3;
	[tilespmem:s26+$0x2800] =	vst v0  }
0x4c: {  	v36 =	vmul.f32 v12, v2;
	[tilespmem:s26+$0x2880] =	vst v1  }
0x4d: {  	v37 =	vmax.f32 v9, v10;
	v38 =	vmax.f32 v8, v11;
	[tilespmem:s26+$0x2900] =	vst v3  }
0x4e: {  	s2 =	sshra.s32 s28, $0x2;
	[tilespmem:s26+$0x2980] =	vst v36;
	v1 =	vmax.f32 v37, v38  }
0x4f: {  	v3 =	vld [tilespmem:s2+$0x2000];
	v39 =	vsub.f32 v9, v1;
	v40 =	vpop (erf)  }
0x50: {  	v41 =	vsub.f32 v10, v1;
	v43 =	vsub.f32 v11, v1;
	v42 =	vpop (erf)  }
0x51: {  	v1 =	vsub.f32 v8, v1;
	v0 =	vmul.f32 $1.442695020e+00, v39;
	v44 =	vadd.f32 v42, v40;
	v45 =	vpop (erf)  }
0x52: {  	v46 =	vmul.f32 $1.442695020e+00, v41;
	v11 =	vmul.f32 $1.442695020e+00, v43;
	v47 =	vpop (erf)  }
0x53: {  	v1 =	vmul.f32 $1.442695020e+00, v1;
	(erf) = vpow2.f32 v0;
	v48 =	vadd.f32 v44, v47;
	v49 =	vpop (erf)  }
0x54: {  	(erf) = vpow2.f32 v46;
	v3 =	vmul.f32 v49, v3  }
0x55: {  	(erf) = vpow2.f32 v11;
	v0 =	vadd.f32 v48, v45  }
0x56: {  	(erf) = vpow2.f32 v1;
	v50 =	vmul.f32 v3, v4  }
0x57: {  	v51 =	vmul.f32 v3, v5;
	(erf) = vrcp.f32 v0  }
0x58: {  	v52 =	vmul.f32 v3, v7;
	[tilespmem:s23+$0x2800] =	vst v50  }
0x59: {  	v53 =	vmul.f32 v3, v6;
	[tilespmem:s23+$0x2880] =	vst v51  }
0x5a: {  	[tilespmem:s23+$0x2900] =	vst v52  }
0x5b: {  	s30 =	sshra.s32 s24, $0x2;
	[tilespmem:s23+$0x2980] =	vst v53  }
0x5c: {  	v1 =	vld [tilespmem:s30+$0x2000];
	v54 =	vpop (erf)  }
0x5d: {  	v55 =	vpop (erf)  }
0x5e: {  	v56 =	vadd.f32 v55, v54;
	v57 =	vpop (erf)  }
0x5f: {  	v58 =	vpop (erf)  }
0x60: {  	v4 =	vadd.f32 v56, v58;
	v59 =	vpop (erf)  }
0x61: {  	v1 =	vmul.f32 v59, v1  }
0x62: {  	v4 =	vadd.f32 v4, v57  }
0x63: {  	v2 =	vmul.f32 v1, v40  }
0x64: {  	v60 =	vmul.f32 v1, v42;
	(erf) = vrcp.f32 v4  }
0x65: {  	v7 =	vmul.f32 v1, v47;
	[tilespmem:s0+$0x2800] =	vst v2  }
0x66: {  	v1 =	vmul.f32 v1, v45;
	[tilespmem:s0+$0x2880] =	vst v60  }
0x67: {  	[tilespmem:s0+$0x2900] =	vst v7  }
0x68: {  	s31 =	sshra.s32 s4, $0x2;
	[tilespmem:s0+$0x2980] =	vst v1  }
0x69: {  	v1 =	vld [tilespmem:s31+$0x2000];
	_ =	sdelay $0x3  }
0x6a: {  	v61 =	vpop (erf)  }
0x6b: {  	v1 =	vmul.f32 v61, v1;
	_ =	sdelay $0x1  }
0x6c: {  	v0 =	vmul.f32 v1, v54  }
0x6d: {  	v2 =	vmul.f32 v1, v55  }
0x6e: {  	v62 =	vmul.f32 v1, v58;
	[tilespmem:s25+$0x2800] =	vst v0  }
0x6f: {  	v63 =	vmul.f32 v1, v57;
	[tilespmem:s25+$0x2880] =	vst v2  }
0x70: {  	[tilespmem:s25+$0x2900] =	vst v62  }
0x71: {  	s24 =	simm.s32 $0x0;
	s23 =	simm.s32 $0x0;
	[tilespmem:s25+$0x2980] =	vst v63  }
.LBB2_4:
0x72: {  	s26 =	sshll.u32 s24, $0x4  }
0x73: {  	s0 =	sor.u32 s26, s7  }
0x74: {  	s0 =	sshll.u32 s0, $0x8  }
0x75: {  	s25 =	sor.u32 $0x800, s0  }
0x76: {  	s0 =	sadd.s32 s1, s25  }
0x77: {  	[tilespmem:s15], [sflag:$0x2] =	stream.linear.gather [hbm4b:s0+s6], $0x4000, $0x38;
	[tilespmem:$0x14800] =	vst v63  }
0x78: {  	_ =	swait.ge [sflag:s16], $0x4000  }
0x79: {  	p0 =	seq.s32 s24, $0x0;
	[sflag:s16] =	ssyncset.done $0x0  }
0x7a: {  	s0 =	simm.s32 @!p0 $0x3;
	[sflag:s16] =	ssyncadd.s32 $0xFFFFC000  }
0x7b: {  	s2 =	simm.s32 $0x0;
	_ =	swait.ge @!p0 [sflag:s0], $0x4000  }
0x7c: {  	s3 =	sand.u32 $0x70, s23;
	s2 =	sand.u32 $0xFFFFFC00, s2;
	[sflag:s0] =	ssyncset.done @!p0 $0x0  }
0x7d: {  	s28 =	sor.u32 s3, s2;
	[sflag:s0] =	ssyncadd.s32 @!p0 $0xFFFFC000  }
0x7e: {  	v0 =	vld [tilespmem:s28+$0x4B80]  }
0x7f: {  	v16 =	vld [tilespmem:s28+$0x4800]  }
0x80: {  	v12 =	vld [tilespmem:s28+$0x4880]  }
0x81: {  	v15 =	vld [tilespmem:s28+$0x4900];
	_ =	sdelay $0x1  }
0x82: {  	v11 =	vld [tilespmem:s28+$0x4980];
	v1 =	vsub.f32 $0.0e+00, v0  }
0x83: {  	v2 =	vsub.f32 $0.0e+00, v16  }
0x84: {  	v10 =	vld [tilespmem:s28+$0x4A00];
	v3 =	vsub.f32 $0.0e+00, v12;
	v1 =	vmul.f32 $1.442695020e+00, v1  }
0x85: {  	v13 =	vld [tilespmem:s28+$0x4A80];
	v4 =	vsub.f32 $0.0e+00, v15;
	v2 =	vmul.f32 $1.442695020e+00, v2  }
0x86: {  	(erf) = vpow2.f32 v1;
	v1 =	vmul.f32 $1.442695020e+00, v3  }
0x87: {  	s2 =	simm.s32 $0x0;
	v14 =	vld [tilespmem:s28+$0x4B00];
	v3 =	vsub.f32 $0.0e+00, v11;
	(erf) = vpow2.f32 v2;
	v2 =	vmul.f32 $1.442695020e+00, v4  }
0x88: {  	s0 =	sand.u32 $0x3FFFFE00, s2;
	(erf) = vpow2.f32 v1  }
0x89: {  	s0 =	sor.u32 s3, s0;
	v4 =	vsub.f32 $0.0e+00, v10;
	v3 =	vmul.f32 $1.442695020e+00, v3;
	(erf) = vpow2.f32 v2  }
0x8a: {  	v26 =	vld [tilespmem:s0+$0x2900];
	v5 =	vsub.f32 $0.0e+00, v13  }
0x8b: {  	v1 =	vmul.f32 $1.442695020e+00, v4;
	(erf) = vpow2.f32 v3  }
0x8c: {  	v4 =	vsub.f32 $0.0e+00, v14;
	v2 =	vmul.f32 $1.442695020e+00, v5  }
0x8d: {  	(erf) = vpow2.f32 v1  }
0x8e: {  	v3 =	vmul.f32 $1.442695020e+00, v4  }
0x8f: {  	v37 =	vmul.f32 v0, v26;
	(erf) = vpow2.f32 v2;
	v1 =	vpop (erf)  }
0x90: {  	v47 =	vmul.f32 v13, v26;
	(erf) = vpow2.f32 v3;
	v1 =	vmin.f32 v1, $1.000000000e+09;
	v2 =	vpop (erf)  }
0x91: {  	v2 =	vmin.f32 v2, $1.000000000e+09;
	v3 =	vmul.f32 v1, v1;
	v4 =	vpop (erf);
	v1 =	vadd.f32 $1.000000000e+00, v1  }
0x92: {  	v22 =	vld [tilespmem:s0+$0x2880];
	v5 =	vmul.f32 v2, v2;
	v4 =	vmin.f32 v4, $1.000000000e+09;
	v6 =	vpop (erf);
	v2 =	vadd.f32 $1.000000000e+00, v2  }
0x93: {  	v7 =	vadd.f32 $1.000000000e+00, v3;
	v6 =	vmin.f32 v6, $1.000000000e+09;
	v9 =	vmul.f32 v4, v4  }
0x94: {  	v8 =	vpop (erf);
	v3 =	vsub.f32 $1.000000000e+00, v3;
	v4 =	vadd.f32 $1.000000000e+00, v4;
	v17 =	vmul.f32 v6, v6  }
0x95: {  	v8 =	vmin.f32 v8, $1.000000000e+09;
	v23 =	vadd.f32 $1.000000000e+00, v5;
	v6 =	vadd.f32 $1.000000000e+00, v6  }
0x96: {  	v18 =	vpop (erf);
	v5 =	vsub.f32 $1.000000000e+00, v5;
	v19 =	vmul.f32 v7, v1;
	v20 =	vmul.f32 v8, v8  }
0x97: {  	v28 =	vld [tilespmem:s0+$0x2980];
	v21 =	vmin.f32 v18, $1.000000000e+09;
	v29 =	vadd.f32 $1.000000000e+00, v9;
	v1 =	vmul.f32 v1, v22  }
0x98: {  	v18 =	vpop (erf);
	v8 =	vadd.f32 $1.000000000e+00, v8;
	v9 =	vsub.f32 $1.000000000e+00, v9;
	v24 =	vmul.f32 v21, v21  }
0x99: {  	v25 =	vmin.f32 v18, $1.000000000e+09;
	v33 =	vmul.f32 v23, v2;
	v2 =	vmul.f32 v2, v22  }
0x9a: {  	v18 =	vpop (erf);
	v30 =	vadd.f32 $1.000000000e+00, v17;
	(erf) = vrcp.f32 v19;
	v19 =	vmul.f32 v25, v25  }
0x9b: {  	v27 =	vmin.f32 v18, $1.000000000e+09;
	v32 =	vadd.f32 $1.000000000e+00, v20;
	v1 =	vmul.f32 v3, v1  }
0x9c: {  	v3 =	vmul.f32 v7, v28;
	v7 =	vadd.f32 $1.000000000e+00, v21;
	v21 =	vmul.f32 v29, v4  }
0x9d: {  	v25 =	vadd.f32 $1.000000000e+00, v25;
	v4 =	vmul.f32 v4, v22;
	v31 =	vmul.f32 v27, v27  }
0x9e: {  	v18 =	vld [tilespmem:s0+$0x2800];
	v34 =	vadd.f32 $1.000000000e+00, v24;
	v38 =	vmul.f32 v30, v6;
	(erf) = vrcp.f32 v33  }
0x9f: {  	v27 =	vadd.f32 $1.000000000e+00, v27;
	v6 =	vmul.f32 v6, v22;
	v2 =	vmul.f32 v5, v2  }
0xa0: {  	v5 =	vmul.f32 v23, v28;
	v35 =	vadd.f32 $1.000000000e+00, v19;
	v44 =	vmul.f32 v32, v8  }
0xa1: {  	v1 =	vadd.f32 v3, v1;
	v8 =	vmul.f32 v8, v22;
	v4 =	vmul.f32 v9, v4  }
0xa2: {  	v9 =	vmul.f32 v29, v28;
	v29 =	vmul.f32 v11, v26;
	v36 =	vadd.f32 $1.000000000e+00, v31  }
0xa3: {  	v39 =	vmul.f32 v34, v7;
	v7 =	vmul.f32 v7, v22;
	v3 =	vadd.f32 v37, v18  }
0xa4: {  	v23 =	vadd.f32 v5, v2;
	v2 =	vmul.f32 v32, v28;
	v5 =	vmul.f32 v34, v28  }
0xa5: {  	v45 =	vmul.f32 v36, v27;
	v0 =	vmul.f32 v3, v0  }
0xa6: {  	v3 =	vmul.f32 v35, v25;
	v40 =	vpop (erf);
	(erf) = vrcp.f32 v21;
	v21 =	vsub.f32 $1.000000000e+00, v17  }
0xa7: {  	v1 =	vmul.f32 v40, v1;
	(erf) = vrcp.f32 v38  }
0xa8: {  	(erf) = vrcp.f32 v44;
	v6 =	vmul.f32 v21, v6  }
0xa9: {  	v19 =	vsub.f32 $1.000000000e+00, v19;
	v21 =	vmul.f32 v30, v28;
	(erf) = vrcp.f32 v39  }
0xaa: {  	v17 =	vadd.f32 v1, v0;
	v0 =	vmul.f32 v25, v22;
	v1 =	vsub.f32 $1.000000000e+00, v20  }
0xab: {  	s4 =	simm.s32 $0x80;
	s3 =	simm.s32 $0x10;
	v20 =	vsub.f32 $1.000000000e+00, v24;
	(erf) = vrcp.f32 v3;
	v3 =	vmul.f32 v27, v22  }
0xac: {  	s2 =	sand.u32 $0xFFFFFC00, s4;
	s0 =	sand.u32 $0x70, s3;
	v22 =	vsub.f32 $1.000000000e+00, v31;
	v27 =	vmul.f32 v12, v26;
	v31 =	vmul.f32 v10, v26  }
0xad: {  	s29 =	sor.u32 s0, s2;
	v1 =	vmul.f32 v1, v8;
	v8 =	vadd.f32 v9, v4;
	v4 =	vmul.f32 v20, v7  }
0xae: {  	v20 =	vld [tilespmem:s29+$0x4B80];
	v7 =	vadd.f32 v21, v6;
	v6 =	vmul.f32 v19, v0;
	v9 =	vmul.f32 v35, v28  }
0xaf: {  	v19 =	vmul.f32 v36, v28;
	v0 =	vld [tilespmem:s29+$0x4800];
	v28 =	vmul.f32 v15, v26  }
0xb0: {  	(erf) = vrcp.f32 v45;
	v3 =	vmul.f32 v22, v3;
	v24 =	vadd.f32 v2, v1;
	v1 =	vld [tilespmem:s29+$0x4880]  }
0xb1: {  	v25 =	vadd.f32 v5, v4;
	v4 =	vmul.f32 v16, v26;
	v2 =	vld [tilespmem:s29+$0x4900];
	v28 =	vadd.f32 v28, v18  }
0xb2: {  	v9 =	vadd.f32 v9, v6;
	v5 =	vld [tilespmem:s29+$0x4980];
	v26 =	vmul.f32 v14, v26;
	v30 =	vadd.f32 v19, v3;
	v6 =	vpop (erf)  }
0xb3: {  	v46 =	vadd.f32 v4, v18;
	v4 =	vld [tilespmem:s29+$0x4A00];
	v32 =	vmul.f32 v28, v15;
	v3 =	vsub.f32 $0.0e+00, v20;
	v19 =	vpop (erf)  }
0xb4: {  	v21 =	vmul.f32 v6, v23;
	v23 =	vsub.f32 $0.0e+00, v0;
	v6 =	vld [tilespmem:s29+$0x4A80];
	v48 =	vpop (erf);
	v22 =	vmul.f32 v19, v8  }
0xb5: {  	v49 =	vmul.f32 $1.442695020e+00, v3;
	v19 =	vmul.f32 v48, v7;
	v3 =	vld [tilespmem:s29+$0x4B00]  }
0xb6: {  	v7 =	vsub.f32 $0.0e+00, v1;
	v8 =	vpop (erf);
	v50 =	vmul.f32 $1.442695020e+00, v23;
	v51 =	vsub.f32 $0.0e+00, v2  }
0xb7: {  	v23 =	vmul.f32 v8, v24;
	v8 =	vsub.f32 $0.0e+00, v5;
	(erf) = vpow2.f32 v49  }
0xb8: {  	v7 =	vmul.f32 $1.442695020e+00, v7;
	v24 =	vmul.f32 $1.442695020e+00, v51;
	v52 =	vsub.f32 $0.0e+00, v4  }
0xb9: {  	(erf) = vpow2.f32 v50;
	v8 =	vmul.f32 $1.442695020e+00, v8;
	v53 =	vsub.f32 $0.0e+00, v6  }
0xba: {  	(erf) = vpow2.f32 v7;
	v7 =	vmul.f32 $1.442695020e+00, v52;
	v54 =	vsub.f32 $0.0e+00, v3  }
0xbb: {  	(erf) = vpow2.f32 v24;
	v24 =	vadd.f32 v27, v18;
	v27 =	vmul.f32 $1.442695020e+00, v53  }
0xbc: {  	(erf) = vpow2.f32 v8;
	v55 =	vmul.f32 $1.442695020e+00, v54  }
0xbd: {  	v29 =	vadd.f32 v29, v18;
	v8 =	vpop (erf);
	(erf) = vpow2.f32 v7;
	v24 =	vmul.f32 v24, v12  }
0xbe: {  	v19 =	vadd.f32 v19, v32;
	v56 =	vpop (erf);
	v7 =	vmul.f32 v8, v25;
	(erf) = vpow2.f32 v27  }
0xbf: {  	v27 =	vadd.f32 v31, v18;
	v25 =	vpop (erf);
	v8 =	vmul.f32 v56, v9;
	(erf) = vpow2.f32 v55  }
0xc0: {  	s4 =	simm.s32 $0x40;
	v31 =	vadd.f32 v47, v18;
	v9 =	vmul.f32 v25, v30;
	v25 =	vmul.f32 v46, v16;
	v16 =	vpop (erf)  }
0xc1: {  	s2 =	sand.u32 $0x3FFFFE00, s4;
	v12 =	vmul.f32 v27, v10;
	v15 =	vmin.f32 v16, $1.000000000e+09;
	v16 =	vadd.f32 v26, v18  }
0xc2: {  	s0 =	sor.u32 s0, s2;
	v10 =	vmul.f32 v31, v13;
	v26 =	vmul.f32 v29, v11;
	v11 =	vpop (erf);
	v21 =	vadd.f32 v21, v25  }
0xc3: {  	v38 =	vld [tilespmem:s0+$0x2880];
	v28 =	vmul.f32 v15, v15;
	v13 =	vmin.f32 v11, $1.000000000e+09;
	v18 =	vpop (erf);
	v11 =	vmul.f32 v16, v14  }
0xc4: {  	v14 =	vpop (erf);
	v16 =	vadd.f32 $1.000000000e+00, v15;
	v29 =	vmul.f32 v13, v13;
	v30 =	vmin.f32 v18, $1.000000000e+09  }
0xc5: {  	v35 =	vadd.f32 $1.000000000e+00, v13;
	v27 =	vadd.f32 $1.000000000e+00, v28;
	v31 =	vmin.f32 v14, $1.000000000e+09  }
0xc6: {  	v14 =	vpop (erf);
	v57 =	vmul.f32 v30, v30;
	v28 =	vsub.f32 $1.000000000e+00, v28;
	v30 =	vadd.f32 $1.000000000e+00, v30  }
0xc7: {  	v62 =	vmin.f32 v14, $1.000000000e+09;
	v63 =	vmul.f32 v31, v31;
	v41 =	vadd.f32 $1.000000000e+00, v29  }
0xc8: {  	v14 =	vpop (erf);
	v50 =	vmul.f32 v16, v38;
	v31 =	vadd.f32 $1.000000000e+00, v31;
	v15 =	vmul.f32 v27, v16  }
0xc9: {  	v37 =	vmul.f32 v62, v62;
	v13 =	vpop (erf);
	v58 =	vmin.f32 v14, $1.000000000e+09;
	v45 =	vadd.f32 $1.000000000e+00, v57  }
0xca: {  	v34 =	vadd.f32 $1.000000000e+00, v62;
	v59 =	vmin.f32 v13, $1.000000000e+09;
	v42 =	vmul.f32 v58, v58  }
0xcb: {  	v46 =	vadd.f32 $1.000000000e+00, v63;
	v28 =	vmul.f32 v28, v50;
	v60 =	vmul.f32 v41, v35  }
0xcc: {  	v14 =	vld [tilespmem:s0+$0x2900];
	v13 =	vpop (erf);
	v36 =	vsub.f32 $1.000000000e+00, v63;
	v35 =	vmul.f32 v35, v38;
	v63 =	vmul.f32 v30, v38  }
0xcd: {  	(erf) = vrcp.f32 v15;
	v43 =	vmul.f32 v59, v59;
	v15 =	vld [tilespmem:s0+$0x2980];
	v44 =	vmin.f32 v13, $1.000000000e+09  }
0xce: {  	v33 =	vsub.f32 $1.000000000e+00, v57;
	v52 =	vmul.f32 v45, v30;
	v47 =	vmul.f32 v44, v44  }
0xcf: {  	v48 =	vadd.f32 $1.000000000e+00, v37;
	v13 =	vld [tilespmem:s0+$0x2800];
	v61 =	vmul.f32 v46, v31;
	(erf) = vrcp.f32 v60  }
0xd0: {  	v39 =	vadd.f32 $1.000000000e+00, v58;
	v31 =	vmul.f32 v31, v38;
	v25 =	vmul.f32 v33, v63  }
0xd1: {  	v40 =	vadd.f32 $1.000000000e+00, v59;
	v62 =	vmul.f32 v48, v34;
	(erf) = vrcp.f32 v52  }
0xd2: {  	v49 =	vadd.f32 $1.000000000e+00, v42;
	v51 =	vmul.f32 v20, v14;
	v27 =	vmul.f32 v27, v15  }
0xd3: {  	v18 =	vadd.f32 $1.000000000e+00, v43;
	v34 =	vmul.f32 v34, v38;
	v30 =	vmul.f32 v40, v38  }
0xd4: {  	v54 =	vmul.f32 v49, v39;
	v27 =	vadd.f32 v27, v28;
	v28 =	vadd.f32 v51, v13  }
0xd5: {  	v44 =	vadd.f32 $1.000000000e+00, v44;
	v39 =	vmul.f32 v39, v38;
	v55 =	vmul.f32 v18, v40  }
0xd6: {  	v16 =	vadd.f32 $1.000000000e+00, v47;
	v53 =	vpop (erf);
	v20 =	vmul.f32 v28, v20;
	(erf) = vrcp.f32 v61  }
0xd7: {  	v22 =	vadd.f32 v22, v24;
	v27 =	vmul.f32 v53, v27;
	(erf) = vrcp.f32 v62  }
0xd8: {  	v29 =	vsub.f32 $1.000000000e+00, v29;
	v56 =	vmul.f32 v16, v44;
	(erf) = vrcp.f32 v54  }
0xd9: {  	[tilespmem:s28+$0xCB80] =	vst v17;
	v24 =	vmul.f32 v41, v15;
	v20 =	vadd.f32 v27, v20;
	(erf) = vrcp.f32 v55  }
0xda: {  	[tilespmem:s28+$0xC900] =	vst v19;
	v37 =	vsub.f32 $1.000000000e+00, v37;
	v17 =	vmul.f32 v44, v38;
	(erf) = vrcp.f32 v56  }
0xdb: {  	v26 =	vadd.f32 v23, v26;
	[tilespmem:s29+$0xCB80] =	vst v20;
	v20 =	vmul.f32 v29, v35;
	v29 =	vmul.f32 v45, v15  }
0xdc: {  	[tilespmem:s28+$0xC880] =	vst v22;
	v42 =	vsub.f32 $1.000000000e+00, v42;
	v22 =	vmul.f32 v36, v31;
	v19 =	vmul.f32 v37, v34  }
0xdd: {  	[tilespmem:s28+$0xC800] =	vst v21;
	v31 =	vmul.f32 v46, v15;
	v32 =	vmul.f32 v49, v15;
	v21 =	vadd.f32 v24, v20;
	v24 =	vpop (erf)  }
0xde: {  	s30 =	simm.s32 $0x2;
	v28 =	vsub.f32 $1.000000000e+00, v43;
	v23 =	vadd.f32 v29, v25;
	v20 =	vmul.f32 v48, v15;
	v25 =	vpop (erf)  }
0xdf: {  	s31 =	simm.s32 $0x3;
	s3 =	simm.s32 $0x100;
	[tilespmem:s28+$0xC980] =	vst v26;
	s0 =	simm.s32 $0x20;
	v26 =	vadd.f32 v31, v22;
	v31 =	vmul.f32 v42, v39;
	v27 =	vsub.f32 $1.000000000e+00, v47;
	v29 =	vpop (erf)  }
.LBB2_5:
0xe0: {  	p1 =	sne.s32 s31, $0x7F;
	s4 =	sand.u32 $0x70, s0;
	s2 =	sand.u32 $0xFFFFFC00, s3;
	v33 =	vadd.f32 v20, v19;
	v19 =	vmul.f32 v28, v30;
	v18 =	vmul.f32 v18, v15;
	v28 =	vpop (erf)  }
0xe1: {  	v17 =	vmul.f32 v27, v17;
	v15 =	vmul.f32 v16, v15;
	s2 =	sor.u32 s4, s2;
	v30 =	vadd.f32 v32, v31;
	v16 =	vpop (erf)  }
0xe2: {  	v20 =	vmul.f32 v0, v14;
	v27 =	vmul.f32 v1, v14;
	v22 =	vld [tilespmem:s2+$0x4B80];
	v18 =	vadd.f32 v18, v19;
	v31 =	vpop (erf)  }
0xe3: {  	v34 =	vmul.f32 v5, v14;
	v19 =	vmul.f32 v2, v14;
	v15 =	vadd.f32 v15, v17;
	v32 =	vld [tilespmem:s2+$0x4800];
	v35 =	vpop (erf)  }
0xe4: {  	v38 =	vmul.f32 v6, v14;
	v37 =	vadd.f32 v20, v13;
	v20 =	vmul.f32 v4, v14;
	v36 =	vld [tilespmem:s2+$0x4880]  }
0xe5: {  	v27 =	vadd.f32 v27, v13;
	v14 =	vmul.f32 v3, v14;
	v40 =	vadd.f32 v19, v13;
	v39 =	vld [tilespmem:s2+$0x4900]  }
0xe6: {  	v17 =	vmul.f32 v24, v21;
	v34 =	vadd.f32 v34, v13;
	v42 =	vadd.f32 v20, v13;
	v41 =	vld [tilespmem:s2+$0x4980]  }
0xe7: {  	v38 =	vadd.f32 v38, v13;
	v19 =	vmul.f32 v25, v23;
	v43 =	vld [tilespmem:s2+$0x4A00];
	v21 =	vsub.f32 $0.0e+00, v22  }
0xe8: {  	v20 =	vmul.f32 v29, v26;
	v13 =	vadd.f32 v14, v13;
	v23 =	vsub.f32 $0.0e+00, v32;
	v44 =	vld [tilespmem:s2+$0x4A80]  }
0xe9: {  	v14 =	vsub.f32 $0.0e+00, v36;
	v29 =	vld [tilespmem:s2+$0x4B00];
	v24 =	vmul.f32 $1.442695020e+00, v21;
	v21 =	vmul.f32 v28, v33  }
0xea: {  	v16 =	vmul.f32 v16, v30;
	v23 =	vmul.f32 $1.442695020e+00, v23;
	v25 =	vsub.f32 $0.0e+00, v39  }
0xeb: {  	v14 =	vmul.f32 $1.442695020e+00, v14;
	v26 =	vsub.f32 $0.0e+00, v41;
	(erf) = vpow2.f32 v24  }
0xec: {  	v24 =	vmul.f32 $1.442695020e+00, v25;
	v25 =	vsub.f32 $0.0e+00, v43;
	(erf) = vpow2.f32 v23  }
0xed: {  	v23 =	vmul.f32 $1.442695020e+00, v26;
	v26 =	vsub.f32 $0.0e+00, v44;
	(erf) = vpow2.f32 v14  }
0xee: {  	v14 =	vmul.f32 $1.442695020e+00, v25;
	v25 =	vsub.f32 $0.0e+00, v29;
	(erf) = vpow2.f32 v24  }
0xef: {  	v12 =	vadd.f32 v7, v12;
	v7 =	vmovc v16;
	v24 =	vmul.f32 $1.442695020e+00, v26;
	(erf) = vpow2.f32 v23  }
0xf0: {  	v10 =	vadd.f32 v8, v10;
	v16 =	vmul.f32 $1.442695020e+00, v25;
	(erf) = vpow2.f32 v14  }
0xf1: {  	v11 =	vadd.f32 v9, v11;
	v8 =	vmul.f32 v31, v18;
	(erf) = vpow2.f32 v24;
	[tilespmem:s28+$0xCA00] =	vst v12  }
0xf2: {  	v9 =	vmul.f32 v35, v15;
	(erf) = vpow2.f32 v16;
	[tilespmem:s28+$0xCA80] =	vst v10  }
0xf3: {  	v25 =	vmul.f32 v37, v0;
	v0 =	vmovc v32;
	v24 =	vmul.f32 v27, v1;
	v1 =	vmov v36;
	[tilespmem:s28+$0xCB00] =	vst v11;
	s28 =	smov.u32 s29;
	s29 =	smov.u32 s2  }
0xf4: {  	v26 =	vmul.f32 v40, v2;
	v23 =	vmul.f32 v34, v5;
	v2 =	vmov v39;
	v10 =	vpop (erf)  }
0xf5: {  	v12 =	vmul.f32 v42, v4;
	v5 =	vmin.f32 v10, $1.000000000e+09;
	v11 =	vpop (erf);
	v10 =	vmul.f32 v38, v6  }
0xf6: {  	v4 =	vmin.f32 v11, $1.000000000e+09;
	v27 =	vmul.f32 v5, v5;
	v6 =	vpop (erf);
	v11 =	vmul.f32 v13, v3  }
0xf7: {  	v28 =	vmul.f32 v4, v4;
	v30 =	vadd.f32 $1.000000000e+00, v4;
	v31 =	vmin.f32 v6, $1.000000000e+09;
	v3 =	vpop (erf)  }
0xf8: {  	s2 =	sshll.u32 s30, $0x6;
	s30 =	smov.u32 s31;
	v33 =	vadd.f32 $1.000000000e+00, v5;
	v32 =	vmin.f32 v3, $1.000000000e+09;
	v34 =	vadd.f32 $1.000000000e+00, v27;
	v3 =	vpop (erf)  }
0xf9: {  	s2 =	sand.u32 $0x3FFFFE00, s2;
	v35 =	vmul.f32 v31, v31;
	v36 =	vmul.f32 v32, v32;
	v37 =	vmin.f32 v3, $1.000000000e+09;
	v3 =	vpop (erf)  }
0xfa: {  	s2 =	sor.u32 s4, s2;
	v38 =	vmul.f32 v37, v37;
	v39 =	vmin.f32 v3, $1.000000000e+09;
	v13 =	vmul.f32 v34, v33;
	v4 =	vpop (erf)  }
0xfb: {  	v42 =	vadd.f32 $1.000000000e+00, v28;
	v40 =	vld [tilespmem:s2+$0x2880];
	v45 =	vmul.f32 v39, v39;
	v46 =	vmin.f32 v4, $1.000000000e+09;
	v4 =	vpop (erf)  }
0xfc: {  	v5 =	vmovc v41;
	v14 =	vld [tilespmem:s2+$0x2900];
	v47 =	vmul.f32 v46, v46;
	v48 =	vmin.f32 v4, $1.000000000e+09;
	(erf) = vrcp.f32 v13;
	v4 =	vmovc v43  }
0xfd: {  	v6 =	vmovc v44;
	v41 =	vadd.f32 $1.000000000e+00, v35;
	v3 =	vmovc v29;
	v43 =	vadd.f32 $1.000000000e+00, v36;
	v15 =	vld [tilespmem:s2+$0x2980];
	v49 =	vmul.f32 v48, v48  }
0xfe: {  	v29 =	vmul.f32 v42, v30;
	v44 =	vadd.f32 $1.000000000e+00, v38;
	v50 =	vadd.f32 $1.000000000e+00, v45  }
0xff: {  	v18 =	vadd.f32 $1.000000000e+00, v47;
	v13 =	vld [tilespmem:s2+$0x2800];
	v16 =	vadd.f32 $1.000000000e+00, v49  }
0x100: {  	v31 =	vadd.f32 $1.000000000e+00, v31;
	v27 =	vsub.f32 $1.000000000e+00, v27;
	v33 =	vmul.f32 v33, v40  }
0x101: {  	v32 =	vadd.f32 $1.000000000e+00, v32;
	v37 =	vadd.f32 $1.000000000e+00, v37;
	v51 =	vmul.f32 v22, v14  }
0x102: {  	v39 =	vadd.f32 $1.000000000e+00, v39;
	v27 =	vmul.f32 v27, v33;
	v33 =	vmul.f32 v34, v15  }
0x103: {  	v46 =	vadd.f32 $1.000000000e+00, v46;
	v48 =	vadd.f32 $1.000000000e+00, v48;
	v34 =	vmul.f32 v41, v31  }
0x104: {  	v52 =	vmul.f32 v43, v32;
	v27 =	vadd.f32 v33, v27;
	v33 =	vadd.f32 v51, v13  }
0x105: {  	v53 =	vmul.f32 v44, v37;
	v54 =	vmul.f32 v50, v39;
	v51 =	vsub.f32 $1.000000000e+00, v28;
	v28 =	vpop (erf)  }
0x106: {  	v35 =	vsub.f32 $1.000000000e+00, v35;
	v22 =	vmul.f32 v33, v22;
	v27 =	vmul.f32 v28, v27  }
0x107: {  	v55 =	vmul.f32 v16, v48;
	v33 =	vsub.f32 $1.000000000e+00, v36;
	v36 =	vmul.f32 v18, v46  }
0x108: {  	v56 =	vmul.f32 v30, v40;
	v22 =	vadd.f32 v27, v22;
	(erf) = vrcp.f32 v29  }
0x109: {  	v29 =	vmul.f32 v31, v40;
	v31 =	vsub.f32 $1.000000000e+00, v38;
	(erf) = vrcp.f32 v34  }
0x10a: {  	v32 =	vmul.f32 v32, v40;
	v34 =	vsub.f32 $1.000000000e+00, v45;
	[tilespmem:s29+$0xCB80] =	vst v22;
	(erf) = vrcp.f32 v52  }
0x10b: {  	v28 =	vsub.f32 $1.000000000e+00, v47;
	v22 =	vmul.f32 v37, v40;
	(erf) = vrcp.f32 v53  }
0x10c: {  	v27 =	vsub.f32 $1.000000000e+00, v49;
	v37 =	vmul.f32 v39, v40;
	(erf) = vrcp.f32 v54  }
0x10d: {  	v25 =	vadd.f32 v17, v25;
	v30 =	vmul.f32 v46, v40;
	(erf) = vrcp.f32 v36  }
0x10e: {  	v19 =	vadd.f32 v19, v24;
	v17 =	vmul.f32 v48, v40;
	(erf) = vrcp.f32 v55  }
.Ltmp1:
0x10f: {  	v20 =	vadd.f32 v20, v26;
	v38 =	vmul.f32 v51, v56;
	v36 =	vmul.f32 v42, v15;
	[tilespmem:s28+$0xC800] =	vst v25;
	(pc) =	sbr.rel @p1 .LBB2_5-.Ltmp1, $4  }
0x110: {  	v26 =	vmul.f32 v41, v15;
	v35 =	vmul.f32 v35, v29;
	v39 =	vadd.f32 v21, v23;
	[tilespmem:s28+$0xC880] =	vst v19  }
0x111: {  	v32 =	vmul.f32 v33, v32;
	v33 =	vmul.f32 v43, v15;
	v21 =	vadd.f32 v36, v38;
	v24 =	vpop (erf);
	[tilespmem:s28+$0xC900] =	vst v20  }
0x112: {  	v23 =	vadd.f32 v26, v35;
	v19 =	vmul.f32 v31, v22;
	v20 =	vmul.f32 v44, v15;
	v25 =	vpop (erf);
	[tilespmem:s28+$0xC980] =	vst v39  }
0x113: {  	s0 =	sadd.s32 $0x10, s0;
	s31 =	sadd.s32 $0x1, s31;
	s3 =	sshll.u32 s30, $0x7;
	v26 =	vadd.f32 v33, v32;
	v32 =	vmul.f32 v50, v15;
	v31 =	vmul.f32 v34, v37;
	v29 =	vpop (erf)  }
0x114: {  	v28 =	vmul.f32 v28, v30;
	v18 =	vmul.f32 v18, v15  }
0x115: {  	v17 =	vmul.f32 v27, v17;
	v40 =	vmul.f32 v16, v15  }
0x116: {  	v41 =	vmul.f32 v0, v14;
	v42 =	vmul.f32 v1, v14  }
0x117: {  	s2 =	sand.u32 $0x70, s0;
	s3 =	sand.u32 $0xFFFFFC00, s3;
	v62 =	vadd.f32 v20, v19;
	v43 =	vmul.f32 v2, v14;
	v33 =	vmul.f32 v5, v14  }
0x118: {  	v36 =	vmul.f32 v4, v14;
	v37 =	vmul.f32 v6, v14;
	v27 =	vadd.f32 v7, v12;
	s0 =	sor.u32 s2, s3  }
0x119: {  	v45 =	vmul.f32 v3, v14;
	v8 =	vadd.f32 v8, v10;
	v9 =	vadd.f32 v9, v11;
	v22 =	vld [tilespmem:s0+$0x4B80]  }
0x11a: {  	v21 =	vmul.f32 v24, v21;
	v54 =	vpop (erf);
	v63 =	vadd.f32 v32, v31;
	v19 =	vld [tilespmem:s0+$0x4800];
	v28 =	vadd.f32 v18, v28  }
0x11b: {  	v23 =	vmul.f32 v25, v23;
	v55 =	vpop (erf);
	v34 =	vadd.f32 v40, v17;
	v31 =	vadd.f32 v41, v13  }
0x11c: {  	v24 =	vmul.f32 v29, v26;
	v20 =	vld [tilespmem:s0+$0x4880];
	v32 =	vadd.f32 v42, v13;
	v38 =	vadd.f32 v43, v13;
	v56 =	vpop (erf)  }
0x11d: {  	v16 =	vld [tilespmem:s0+$0x4900];
	v33 =	vadd.f32 v33, v13;
	v36 =	vadd.f32 v36, v13;
	v26 =	vmul.f32 v54, v62;
	v57 =	vpop (erf)  }
0x11e: {  	v17 =	vld [tilespmem:s0+$0x4980];
	v12 =	vmul.f32 v56, v28;
	v7 =	vmul.f32 v57, v34;
	v35 =	vsub.f32 $0.0e+00, v22  }
0x11f: {  	v15 =	vld [tilespmem:s0+$0x4A00];
	v10 =	vmul.f32 v31, v0;
	v11 =	vmul.f32 v32, v1;
	v46 =	vsub.f32 $0.0e+00, v19  }
0x120: {  	v37 =	vadd.f32 v37, v13;
	v2 =	vmul.f32 v38, v2;
	v44 =	vmul.f32 $1.442695020e+00, v35  }
0x121: {  	v5 =	vmul.f32 v33, v5;
	v39 =	vsub.f32 $0.0e+00, v20;
	v47 =	vmul.f32 $1.442695020e+00, v46  }
0x122: {  	v14 =	vld [tilespmem:s0+$0x4A80];
	v1 =	vmul.f32 v36, v4;
	v40 =	vsub.f32 $0.0e+00, v16;
	(erf) = vpow2.f32 v44  }
0x123: {  	v18 =	vld [tilespmem:s0+$0x4B00];
	v49 =	vsub.f32 $0.0e+00, v17;
	v48 =	vmul.f32 $1.442695020e+00, v39;
	(erf) = vpow2.f32 v47  }
0x124: {  	v0 =	vmul.f32 v37, v6;
	v51 =	vsub.f32 $0.0e+00, v15;
	v50 =	vmul.f32 $1.442695020e+00, v40  }
0x125: {  	s4 =	sshll.u32 s30, $0x6;
	v52 =	vmul.f32 $1.442695020e+00, v49;
	(erf) = vpow2.f32 v48  }
0x126: {  	s3 =	sand.u32 $0x3FFFFE00, s4;
	v40 =	vmul.f32 $1.442695020e+00, v51;
	(erf) = vpow2.f32 v50  }
0x127: {  	s2 =	sor.u32 s2, s3;
	v10 =	vadd.f32 v21, v10;
	v53 =	vsub.f32 $0.0e+00, v14;
	(erf) = vpow2.f32 v52  }
0x128: {  	v11 =	vadd.f32 v23, v11;
	v41 =	vsub.f32 $0.0e+00, v18;
	(erf) = vpow2.f32 v40;
	v40 =	vld [tilespmem:s2+$0x2900]  }
0x129: {  	v2 =	vadd.f32 v24, v2;
	v29 =	vmul.f32 $1.442695020e+00, v53;
	v35 =	vadd.f32 v45, v13  }
0x12a: {  	v5 =	vadd.f32 v26, v5;
	v58 =	vmul.f32 $1.442695020e+00, v41;
	v13 =	vmul.f32 v55, v63;
	v48 =	vld [tilespmem:s2+$0x2800]  }
0x12b: {  	v0 =	vadd.f32 v12, v0;
	v3 =	vmul.f32 v35, v3;
	(erf) = vpow2.f32 v29;
	v59 =	vpop (erf)  }
0x12c: {  	v1 =	vadd.f32 v13, v1;
	(erf) = vpow2.f32 v58;
	v25 =	vmin.f32 v59, $1.000000000e+09;
	v61 =	vpop (erf)  }
0x12d: {  	v52 =	vmul.f32 v22, v40;
	v60 =	vmul.f32 v25, v25;
	v54 =	vmin.f32 v61, $1.000000000e+09  }
0x12e: {  	v62 =	vpop (erf);
	v25 =	vadd.f32 $1.000000000e+00, v25;
	v29 =	vmul.f32 v54, v54;
	v4 =	vadd.f32 $1.000000000e+00, v54  }
0x12f: {  	v37 =	vld [tilespmem:s2+$0x2880];
	v55 =	vpop (erf);
	v30 =	vmin.f32 v62, $1.000000000e+09;
	v62 =	vadd.f32 v52, v48;
	v63 =	vadd.f32 $1.000000000e+00, v60  }
0x130: {  	v41 =	vld [tilespmem:s2+$0x2980];
	v56 =	vpop (erf);
	v6 =	vmin.f32 v55, $1.000000000e+09;
	v34 =	vmul.f32 v30, v30;
	v28 =	vsub.f32 $1.000000000e+00, v60  }
0x131: {  	v30 =	vadd.f32 $1.000000000e+00, v30;
	v38 =	vmul.f32 v6, v6;
	v32 =	vmin.f32 v56, $1.000000000e+09  }
0x132: {  	v42 =	vadd.f32 $1.000000000e+00, v29;
	v6 =	vadd.f32 $1.000000000e+00, v6;
	v22 =	vmul.f32 v62, v22  }
0x133: {  	v58 =	vpop (erf);
	v29 =	vsub.f32 $1.000000000e+00, v29;
	v57 =	vmul.f32 v63, v25;
	v33 =	vmul.f32 v32, v32  }
0x134: {  	v36 =	vmin.f32 v58, $1.000000000e+09;
	v46 =	vadd.f32 $1.000000000e+00, v34;
	v25 =	vmul.f32 v25, v37  }
0x135: {  	v59 =	vpop (erf);
	v60 =	vmul.f32 v63, v41;
	v32 =	vadd.f32 $1.000000000e+00, v32;
	v34 =	vsub.f32 $1.000000000e+00, v34  }
0x136: {  	v39 =	vmin.f32 v59, $1.000000000e+09;
	v43 =	vmul.f32 v36, v36;
	v47 =	vadd.f32 $1.000000000e+00, v38  }
0x137: {  	v61 =	vmul.f32 v42, v4;
	v36 =	vadd.f32 $1.000000000e+00, v36;
	v4 =	vmul.f32 v4, v37  }
0x138: {  	v38 =	vsub.f32 $1.000000000e+00, v38;
	v42 =	vmul.f32 v42, v41;
	(erf) = vrcp.f32 v57  }
0x139: {  	v45 =	vmul.f32 v39, v39;
	v50 =	vadd.f32 $1.000000000e+00, v33;
	v25 =	vmul.f32 v28, v25  }
0x13a: {  	v63 =	vmul.f32 v46, v30;
	v28 =	vadd.f32 $1.000000000e+00, v39;
	v30 =	vmul.f32 v30, v37  }
0x13b: {  	v46 =	vmul.f32 v46, v41;
	v44 =	vpop (erf);
	v51 =	vadd.f32 $1.000000000e+00, v43;
	v57 =	vmul.f32 v47, v6  }
0x13c: {  	v6 =	vmul.f32 v6, v37;
	v4 =	vmul.f32 v29, v4;
	v44 =	vmin.f32 v44, $1.000000000e+09  }
0x13d: {  	v53 =	vadd.f32 $1.000000000e+00, v45;
	v58 =	vmul.f32 v50, v32;
	v32 =	vmul.f32 v32, v37  }
0x13e: {  	v62 =	vsub.f32 $1.000000000e+00, v45;
	v45 =	vmul.f32 v34, v30;
	v34 =	vmul.f32 v17, v40  }
0x13f: {  	v33 =	vsub.f32 $1.000000000e+00, v33;
	v49 =	vmul.f32 v44, v44;
	v59 =	vmul.f32 v51, v36  }
0x140: {  	v43 =	vsub.f32 $1.000000000e+00, v43;
	v36 =	vmul.f32 v36, v37;
	v6 =	vmul.f32 v38, v6  }
0x141: {  	v25 =	vadd.f32 v60, v25;
	v56 =	vmul.f32 v51, v41;
	v38 =	vmul.f32 v14, v40  }
0x142: {  	v39 =	vadd.f32 $1.000000000e+00, v44;
	v55 =	vmul.f32 v43, v36;
	v36 =	vmul.f32 v15, v40  }
0x143: {  	v60 =	vmul.f32 v53, v28;
	v28 =	vmul.f32 v28, v37;
	v31 =	vadd.f32 $1.000000000e+00, v49  }
0x144: {  	v52 =	vmul.f32 v33, v32;
	v33 =	vmul.f32 v16, v40;
	v43 =	vadd.f32 v36, v48  }
0x145: {  	v4 =	vadd.f32 v42, v4;
	v54 =	vpop (erf);
	(erf) = vrcp.f32 v61;
	v61 =	vmul.f32 v31, v39  }
0x146: {  	[tilespmem:s29+$0xC900] =	vst v2;
	v24 =	vadd.f32 v46, v45;
	v39 =	vmul.f32 v39, v37;
	v2 =	vmul.f32 v43, v15  }
0x147: {  	v42 =	vadd.f32 v34, v48;
	v25 =	vmul.f32 v54, v25;
	(erf) = vrcp.f32 v63  }
0x148: {  	v63 =	vsub.f32 $1.000000000e+00, v49;
	v49 =	vmul.f32 v47, v41;
	(erf) = vrcp.f32 v57  }
0x149: {  	v45 =	vadd.f32 v38, v48;
	v54 =	vmul.f32 v50, v41;
	(erf) = vrcp.f32 v58  }
0x14a: {  	[tilespmem:s28+$0xCA00] =	vst v27;
	v26 =	vadd.f32 v33, v48;
	v57 =	vmul.f32 v62, v28;
	(erf) = vrcp.f32 v59  }
0x14b: {  	[tilespmem:s28+$0xCA80] =	vst v8;
	v47 =	vadd.f32 v7, v3;
	v62 =	vmul.f32 v20, v40;
	(erf) = vrcp.f32 v60  }
0x14c: {  	[tilespmem:s28+$0xCB00] =	vst v9;
	v22 =	vadd.f32 v25, v22;
	(erf) = vrcp.f32 v61;
	v61 =	vmul.f32 v19, v40  }
0x14d: {  	[tilespmem:s29+$0xC800] =	vst v10;
	v58 =	vmul.f32 v53, v41;
	v23 =	vadd.f32 v54, v52;
	v21 =	vmul.f32 v63, v39  }
0x14e: {  	[tilespmem:s29+$0xC880] =	vst v11;
	v52 =	vmul.f32 v26, v16;
	v54 =	vmul.f32 v42, v17;
	v35 =	vadd.f32 v61, v48  }
0x14f: {  	[tilespmem:s29+$0xC980] =	vst v5;
	v59 =	vmul.f32 v31, v41;
	v29 =	vadd.f32 v62, v48;
	v41 =	vmul.f32 v18, v40;
	v37 =	vpop (erf)  }
0x150: {  	[tilespmem:s29+$0xCA80] =	vst v0;
	v6 =	vadd.f32 v49, v6;
	v39 =	vpop (erf);
	v4 =	vmul.f32 v37, v4;
	v46 =	vmul.f32 v35, v19  }
0x151: {  	[tilespmem:s29+$0xCA00] =	vst v1;
	v60 =	vadd.f32 v56, v55;
	v49 =	vmul.f32 v29, v20;
	v11 =	vmul.f32 v39, v24;
	v44 =	vpop (erf)  }
0x152: {  	[tilespmem:s29+$0xCB00] =	vst v47;
	v63 =	vadd.f32 v58, v57;
	v5 =	vmul.f32 v44, v6;
	v50 =	vpop (erf);
	v4 =	vadd.f32 v4, v46  }
0x153: {  	[tilespmem:s0+$0xCB80] =	vst v22;
	v21 =	vadd.f32 v59, v21;
	v53 =	vpop (erf);
	v6 =	vmul.f32 v50, v23;
	v3 =	vadd.f32 v11, v49  }
0x154: {  	v51 =	vadd.f32 v41, v48;
	v55 =	vpop (erf);
	v8 =	vmul.f32 v53, v60;
	[tilespmem:s0+$0xC800] =	vst v4;
	v0 =	vadd.f32 v5, v52  }
0x155: {  	v58 =	vmul.f32 v45, v14;
	v56 =	vpop (erf);
	v57 =	vmul.f32 v55, v63;
	[tilespmem:s0+$0xC880] =	vst v3;
	v1 =	vadd.f32 v6, v54  }
0x156: {  	p1 =	sne.s32 s24, $0xF;
	v60 =	vmul.f32 v51, v18;
	v59 =	vmul.f32 v56, v21;
	[tilespmem:s0+$0xC900] =	vst v0;
	v61 =	vadd.f32 v8, v2  }
.Ltmp2:
0x157: {  	[tilespmem:s0+$0xC980] =	vst v1;
	v62 =	vadd.f32 v57, v58;
	(pc) =	sbr.rel @p1 .LBB2_8-.Ltmp2, $4  }
0x158: {  	[tilespmem:s0+$0xCA00] =	vst v61;
	v63 =	vadd.f32 v59, v60  }
0x159: {  	s30 =	sshll.u32 s24, $0xC;
	[tilespmem:s0+$0xCA80] =	vst v62  }
0x15a: {  	s31 =	sadd.s32 s30, s9;
	[tilespmem:s0+$0xCB00] =	vst v63  }
0x15b: {  	[hbm4b:s31+s6] =	stream.linear.scatter [tilespmem:s17], [sflag:$0x3], $0x4000, $0x38;
	[tilespmem:$0x14800] =	vst v63  }
.Ltmp3:
0x15c: {  	(pc) =	sbr.rel .LBB2_9-.Ltmp3, $4  }
0x15d: {  	_ = 	snop  }
0x15e: {  	_ =	swait.ge [sflag:s18], $0x4000  }
0x15f: {  	[sflag:s18] =	ssyncset.done $0x0  }
0x160: {  	[sflag:s18] =	ssyncadd.s32 $0xFFFFC000  }
.LBB2_8:
0x161: {  	s0 =	sadd.s32 s26, s10  }
0x162: {  	s0 =	sshll.u32 s0, $0x8  }
.Ltmp4:
0x163: {  	s0 =	sadd.s32 s1, s0;
	(pc) =	sbr.rel @p0 .LBB2_10-.Ltmp4, $4  }
0x164: {  	[tilespmem:s12], [sflag:$0x1] =	stream.linear.gather [hbm4b:s0+s6], $0x4000, $0x38;
	[tilespmem:$0x14800] =	vst v63  }
0x165: {  	_ =	swait.ge [sflag:s18], $0x4000  }
0x166: {  	[sflag:s18] =	ssyncset.done $0x0  }
0x167: {  	[sflag:s18] =	ssyncadd.s32 $0xFFFFC000  }
.LBB2_9:
0x168: {  	_ =	swait.ge [sflag:s19], $0x4000  }
0x169: {  	[sflag:s19] =	ssyncset.done $0x0  }
0x16a: {  	[sflag:s19] =	ssyncadd.s32 $0xFFFFC000  }
.LBB2_10:
0x16b: {  	s0 =	simm.s32 $0x0;
	s2 =	simm.s32 $0x0  }
0x16c: {  	s0 =	sand.u32 $0x70, s0;
	s2 =	sand.u32 $0xFFFFFC00, s2  }
0x16d: {  	s26 =	sor.u32 s0, s2  }
0x16e: {  	v0 =	vld [tilespmem:s26+$0x8B80]  }
0x16f: {  	v16 =	vld [tilespmem:s26+$0x8800]  }
0x170: {  	v12 =	vld [tilespmem:s26+$0x8880]  }
0x171: {  	v15 =	vld [tilespmem:s26+$0x8900];
	_ =	sdelay $0x1  }
0x172: {  	v11 =	vld [tilespmem:s26+$0x8980];
	v1 =	vsub.f32 $0.0e+00, v0  }
0x173: {  	v2 =	vsub.f32 $0.0e+00, v16  }
0x174: {  	v10 =	vld [tilespmem:s26+$0x8A00];
	v3 =	vsub.f32 $0.0e+00, v12;
	v1 =	vmul.f32 $1.442695020e+00, v1  }
0x175: {  	v13 =	vld [tilespmem:s26+$0x8A80];
	v4 =	vsub.f32 $0.0e+00, v15;
	v2 =	vmul.f32 $1.442695020e+00, v2  }
0x176: {  	(erf) = vpow2.f32 v1;
	v1 =	vmul.f32 $1.442695020e+00, v3  }
0x177: {  	s31 =	simm.s32 $0x0;
	v14 =	vld [tilespmem:s26+$0x8B00];
	v3 =	vsub.f32 $0.0e+00, v11;
	(erf) = vpow2.f32 v2;
	v2 =	vmul.f32 $1.442695020e+00, v4  }
0x178: {  	s2 =	sand.u32 $0x3FFFFE00, s31;
	(erf) = vpow2.f32 v1  }
0x179: {  	s0 =	sor.u32 s0, s2;
	v4 =	vsub.f32 $0.0e+00, v10;
	v3 =	vmul.f32 $1.442695020e+00, v3;
	(erf) = vpow2.f32 v2  }
0x17a: {  	v26 =	vld [tilespmem:s0+$0x2900];
	v5 =	vsub.f32 $0.0e+00, v13  }
0x17b: {  	v1 =	vmul.f32 $1.442695020e+00, v4;
	(erf) = vpow2.f32 v3  }
0x17c: {  	v4 =	vsub.f32 $0.0e+00, v14;
	v2 =	vmul.f32 $1.442695020e+00, v5  }
0x17d: {  	(erf) = vpow2.f32 v1  }
0x17e: {  	v3 =	vmul.f32 $1.442695020e+00, v4  }
0x17f: {  	v37 =	vmul.f32 v0, v26;
	(erf) = vpow2.f32 v2;
	v1 =	vpop (erf)  }
0x180: {  	v47 =	vmul.f32 v13, v26;
	(erf) = vpow2.f32 v3;
	v1 =	vmin.f32 v1, $1.000000000e+09;
	v2 =	vpop (erf)  }
0x181: {  	v2 =	vmin.f32 v2, $1.000000000e+09;
	v3 =	vmul.f32 v1, v1;
	v4 =	vpop (erf);
	v1 =	vadd.f32 $1.000000000e+00, v1  }
0x182: {  	v22 =	vld [tilespmem:s0+$0x2880];
	v5 =	vmul.f32 v2, v2;
	v4 =	vmin.f32 v4, $1.000000000e+09;
	v6 =	vpop (erf);
	v2 =	vadd.f32 $1.000000000e+00, v2  }
0x183: {  	v7 =	vadd.f32 $1.000000000e+00, v3;
	v6 =	vmin.f32 v6, $1.000000000e+09;
	v9 =	vmul.f32 v4, v4  }
0x184: {  	v8 =	vpop (erf);
	v3 =	vsub.f32 $1.000000000e+00, v3;
	v4 =	vadd.f32 $1.000000000e+00, v4;
	v17 =	vmul.f32 v6, v6  }
0x185: {  	v8 =	vmin.f32 v8, $1.000000000e+09;
	v23 =	vadd.f32 $1.000000000e+00, v5;
	v6 =	vadd.f32 $1.000000000e+00, v6  }
0x186: {  	v18 =	vpop (erf);
	v5 =	vsub.f32 $1.000000000e+00, v5;
	v19 =	vmul.f32 v7, v1;
	v20 =	vmul.f32 v8, v8  }
0x187: {  	v28 =	vld [tilespmem:s0+$0x2980];
	v21 =	vmin.f32 v18, $1.000000000e+09;
	v29 =	vadd.f32 $1.000000000e+00, v9;
	v1 =	vmul.f32 v1, v22  }
0x188: {  	v18 =	vpop (erf);
	v8 =	vadd.f32 $1.000000000e+00, v8;
	v9 =	vsub.f32 $1.000000000e+00, v9;
	v24 =	vmul.f32 v21, v21  }
0x189: {  	v25 =	vmin.f32 v18, $1.000000000e+09;
	v33 =	vmul.f32 v23, v2;
	v2 =	vmul.f32 v2, v22  }
0x18a: {  	v18 =	vpop (erf);
	v30 =	vadd.f32 $1.000000000e+00, v17;
	(erf) = vrcp.f32 v19;
	v19 =	vmul.f32 v25, v25  }
0x18b: {  	v27 =	vmin.f32 v18, $1.000000000e+09;
	v32 =	vadd.f32 $1.000000000e+00, v20;
	v1 =	vmul.f32 v3, v1  }
0x18c: {  	v3 =	vmul.f32 v7, v28;
	v7 =	vadd.f32 $1.000000000e+00, v21;
	v21 =	vmul.f32 v29, v4  }
0x18d: {  	v25 =	vadd.f32 $1.000000000e+00, v25;
	v4 =	vmul.f32 v4, v22;
	v31 =	vmul.f32 v27, v27  }
0x18e: {  	v18 =	vld [tilespmem:s0+$0x2800];
	v34 =	vadd.f32 $1.000000000e+00, v24;
	v38 =	vmul.f32 v30, v6;
	(erf) = vrcp.f32 v33  }
0x18f: {  	v27 =	vadd.f32 $1.000000000e+00, v27;
	v6 =	vmul.f32 v6, v22;
	v2 =	vmul.f32 v5, v2  }
0x190: {  	v5 =	vmul.f32 v23, v28;
	v35 =	vadd.f32 $1.000000000e+00, v19;
	v44 =	vmul.f32 v32, v8  }
0x191: {  	v1 =	vadd.f32 v3, v1;
	v8 =	vmul.f32 v8, v22;
	v4 =	vmul.f32 v9, v4  }
0x192: {  	v9 =	vmul.f32 v29, v28;
	v29 =	vmul.f32 v11, v26;
	v36 =	vadd.f32 $1.000000000e+00, v31  }
0x193: {  	v39 =	vmul.f32 v34, v7;
	v7 =	vmul.f32 v7, v22;
	v3 =	vadd.f32 v37, v18  }
0x194: {  	v23 =	vadd.f32 v5, v2;
	v2 =	vmul.f32 v32, v28;
	v5 =	vmul.f32 v34, v28  }
0x195: {  	v45 =	vmul.f32 v36, v27;
	v0 =	vmul.f32 v3, v0  }
0x196: {  	v3 =	vmul.f32 v35, v25;
	v40 =	vpop (erf);
	(erf) = vrcp.f32 v21;
	v21 =	vsub.f32 $1.000000000e+00, v17  }
0x197: {  	v1 =	vmul.f32 v40, v1;
	(erf) = vrcp.f32 v38  }
0x198: {  	(erf) = vrcp.f32 v44;
	v6 =	vmul.f32 v21, v6  }
0x199: {  	v19 =	vsub.f32 $1.000000000e+00, v19;
	v21 =	vmul.f32 v30, v28;
	(erf) = vrcp.f32 v39  }
0x19a: {  	v17 =	vadd.f32 v1, v0;
	v0 =	vmul.f32 v25, v22;
	v1 =	vsub.f32 $1.000000000e+00, v20  }
0x19b: {  	s3 =	simm.s32 $0x80;
	s4 =	simm.s32 $0x10;
	v20 =	vsub.f32 $1.000000000e+00, v24;
	(erf) = vrcp.f32 v3;
	v3 =	vmul.f32 v27, v22  }
0x19c: {  	s2 =	sand.u32 $0xFFFFFC00, s3;
	s0 =	sand.u32 $0x70, s4;
	v22 =	vsub.f32 $1.000000000e+00, v31;
	v27 =	vmul.f32 v12, v26;
	v31 =	vmul.f32 v10, v26  }
0x19d: {  	s28 =	sor.u32 s0, s2;
	v1 =	vmul.f32 v1, v8;
	v8 =	vadd.f32 v9, v4;
	v4 =	vmul.f32 v20, v7  }
0x19e: {  	v20 =	vld [tilespmem:s28+$0x8B80];
	v7 =	vadd.f32 v21, v6;
	v6 =	vmul.f32 v19, v0;
	v9 =	vmul.f32 v35, v28  }
0x19f: {  	v19 =	vmul.f32 v36, v28;
	v0 =	vld [tilespmem:s28+$0x8800];
	v28 =	vmul.f32 v15, v26  }
0x1a0: {  	(erf) = vrcp.f32 v45;
	v3 =	vmul.f32 v22, v3;
	v24 =	vadd.f32 v2, v1;
	v1 =	vld [tilespmem:s28+$0x8880]  }
0x1a1: {  	v25 =	vadd.f32 v5, v4;
	v4 =	vmul.f32 v16, v26;
	v2 =	vld [tilespmem:s28+$0x8900];
	v28 =	vadd.f32 v28, v18  }
0x1a2: {  	v9 =	vadd.f32 v9, v6;
	v5 =	vld [tilespmem:s28+$0x8980];
	v26 =	vmul.f32 v14, v26;
	v30 =	vadd.f32 v19, v3;
	v6 =	vpop (erf)  }
0x1a3: {  	v46 =	vadd.f32 v4, v18;
	v4 =	vld [tilespmem:s28+$0x8A00];
	v32 =	vmul.f32 v28, v15;
	v3 =	vsub.f32 $0.0e+00, v20;
	v19 =	vpop (erf)  }
0x1a4: {  	v21 =	vmul.f32 v6, v23;
	v23 =	vsub.f32 $0.0e+00, v0;
	v6 =	vld [tilespmem:s28+$0x8A80];
	v48 =	vpop (erf);
	v22 =	vmul.f32 v19, v8  }
0x1a5: {  	v49 =	vmul.f32 $1.442695020e+00, v3;
	v19 =	vmul.f32 v48, v7;
	v3 =	vld [tilespmem:s28+$0x8B00]  }
0x1a6: {  	v7 =	vsub.f32 $0.0e+00, v1;
	v8 =	vpop (erf);
	v50 =	vmul.f32 $1.442695020e+00, v23;
	v51 =	vsub.f32 $0.0e+00, v2  }
0x1a7: {  	v23 =	vmul.f32 v8, v24;
	v8 =	vsub.f32 $0.0e+00, v5;
	(erf) = vpow2.f32 v49  }
0x1a8: {  	v7 =	vmul.f32 $1.442695020e+00, v7;
	v24 =	vmul.f32 $1.442695020e+00, v51;
	v52 =	vsub.f32 $0.0e+00, v4  }
0x1a9: {  	(erf) = vpow2.f32 v50;
	v8 =	vmul.f32 $1.442695020e+00, v8;
	v53 =	vsub.f32 $0.0e+00, v6  }
0x1aa: {  	(erf) = vpow2.f32 v7;
	v7 =	vmul.f32 $1.442695020e+00, v52;
	v54 =	vsub.f32 $0.0e+00, v3  }
0x1ab: {  	(erf) = vpow2.f32 v24;
	v24 =	vadd.f32 v27, v18;
	v27 =	vmul.f32 $1.442695020e+00, v53  }
0x1ac: {  	(erf) = vpow2.f32 v8;
	v55 =	vmul.f32 $1.442695020e+00, v54  }
0x1ad: {  	v29 =	vadd.f32 v29, v18;
	v8 =	vpop (erf);
	(erf) = vpow2.f32 v7;
	v24 =	vmul.f32 v24, v12  }
0x1ae: {  	v19 =	vadd.f32 v19, v32;
	v56 =	vpop (erf);
	v7 =	vmul.f32 v8, v25;
	(erf) = vpow2.f32 v27  }
0x1af: {  	v27 =	vadd.f32 v31, v18;
	v25 =	vpop (erf);
	v8 =	vmul.f32 v56, v9;
	(erf) = vpow2.f32 v55  }
0x1b0: {  	s31 =	simm.s32 $0x40;
	v31 =	vadd.f32 v47, v18;
	v9 =	vmul.f32 v25, v30;
	v25 =	vmul.f32 v46, v16;
	v16 =	vpop (erf)  }
0x1b1: {  	s2 =	sand.u32 $0x3FFFFE00, s31;
	v12 =	vmul.f32 v27, v10;
	v15 =	vmin.f32 v16, $1.000000000e+09;
	v16 =	vadd.f32 v26, v18  }
0x1b2: {  	s0 =	sor.u32 s0, s2;
	v10 =	vmul.f32 v31, v13;
	v26 =	vmul.f32 v29, v11;
	v11 =	vpop (erf);
	v21 =	vadd.f32 v21, v25  }
0x1b3: {  	v38 =	vld [tilespmem:s0+$0x2880];
	v28 =	vmul.f32 v15, v15;
	v13 =	vmin.f32 v11, $1.000000000e+09;
	v18 =	vpop (erf);
	v11 =	vmul.f32 v16, v14  }
0x1b4: {  	v14 =	vpop (erf);
	v16 =	vadd.f32 $1.000000000e+00, v15;
	v29 =	vmul.f32 v13, v13;
	v30 =	vmin.f32 v18, $1.000000000e+09  }
0x1b5: {  	v35 =	vadd.f32 $1.000000000e+00, v13;
	v27 =	vadd.f32 $1.000000000e+00, v28;
	v31 =	vmin.f32 v14, $1.000000000e+09  }
0x1b6: {  	v14 =	vpop (erf);
	v57 =	vmul.f32 v30, v30;
	v28 =	vsub.f32 $1.000000000e+00, v28;
	v30 =	vadd.f32 $1.000000000e+00, v30  }
0x1b7: {  	v62 =	vmin.f32 v14, $1.000000000e+09;
	v63 =	vmul.f32 v31, v31;
	v41 =	vadd.f32 $1.000000000e+00, v29  }
0x1b8: {  	v14 =	vpop (erf);
	v50 =	vmul.f32 v16, v38;
	v31 =	vadd.f32 $1.000000000e+00, v31;
	v15 =	vmul.f32 v27, v16  }
0x1b9: {  	v37 =	vmul.f32 v62, v62;
	v13 =	vpop (erf);
	v58 =	vmin.f32 v14, $1.000000000e+09;
	v45 =	vadd.f32 $1.000000000e+00, v57  }
0x1ba: {  	v34 =	vadd.f32 $1.000000000e+00, v62;
	v59 =	vmin.f32 v13, $1.000000000e+09;
	v42 =	vmul.f32 v58, v58  }
0x1bb: {  	v46 =	vadd.f32 $1.000000000e+00, v63;
	v28 =	vmul.f32 v28, v50;
	v60 =	vmul.f32 v41, v35  }
0x1bc: {  	v14 =	vld [tilespmem:s0+$0x2900];
	v13 =	vpop (erf);
	v36 =	vsub.f32 $1.000000000e+00, v63;
	v35 =	vmul.f32 v35, v38;
	v63 =	vmul.f32 v30, v38  }
0x1bd: {  	(erf) = vrcp.f32 v15;
	v43 =	vmul.f32 v59, v59;
	v15 =	vld [tilespmem:s0+$0x2980];
	v44 =	vmin.f32 v13, $1.000000000e+09  }
0x1be: {  	v33 =	vsub.f32 $1.000000000e+00, v57;
	v52 =	vmul.f32 v45, v30;
	v47 =	vmul.f32 v44, v44  }
0x1bf: {  	v48 =	vadd.f32 $1.000000000e+00, v37;
	v13 =	vld [tilespmem:s0+$0x2800];
	v61 =	vmul.f32 v46, v31;
	(erf) = vrcp.f32 v60  }
0x1c0: {  	v39 =	vadd.f32 $1.000000000e+00, v58;
	v31 =	vmul.f32 v31, v38;
	v25 =	vmul.f32 v33, v63  }
0x1c1: {  	v40 =	vadd.f32 $1.000000000e+00, v59;
	v62 =	vmul.f32 v48, v34;
	(erf) = vrcp.f32 v52  }
0x1c2: {  	v49 =	vadd.f32 $1.000000000e+00, v42;
	v51 =	vmul.f32 v20, v14;
	v27 =	vmul.f32 v27, v15  }
0x1c3: {  	v18 =	vadd.f32 $1.000000000e+00, v43;
	v34 =	vmul.f32 v34, v38;
	v30 =	vmul.f32 v40, v38  }
0x1c4: {  	v54 =	vmul.f32 v49, v39;
	v27 =	vadd.f32 v27, v28;
	v28 =	vadd.f32 v51, v13  }
0x1c5: {  	v44 =	vadd.f32 $1.000000000e+00, v44;
	v39 =	vmul.f32 v39, v38;
	v55 =	vmul.f32 v18, v40  }
0x1c6: {  	v16 =	vadd.f32 $1.000000000e+00, v47;
	v53 =	vpop (erf);
	v20 =	vmul.f32 v28, v20;
	(erf) = vrcp.f32 v61  }
0x1c7: {  	v22 =	vadd.f32 v22, v24;
	v27 =	vmul.f32 v53, v27;
	(erf) = vrcp.f32 v62  }
0x1c8: {  	v29 =	vsub.f32 $1.000000000e+00, v29;
	v56 =	vmul.f32 v16, v44;
	(erf) = vrcp.f32 v54  }
0x1c9: {  	[tilespmem:s26+$0x10B80] =	vst v17;
	v24 =	vmul.f32 v41, v15;
	v20 =	vadd.f32 v27, v20;
	(erf) = vrcp.f32 v55  }
0x1ca: {  	[tilespmem:s26+$0x10900] =	vst v19;
	v37 =	vsub.f32 $1.000000000e+00, v37;
	v17 =	vmul.f32 v44, v38;
	(erf) = vrcp.f32 v56  }
0x1cb: {  	v26 =	vadd.f32 v23, v26;
	[tilespmem:s28+$0x10B80] =	vst v20;
	v20 =	vmul.f32 v29, v35;
	v29 =	vmul.f32 v45, v15  }
0x1cc: {  	[tilespmem:s26+$0x10880] =	vst v22;
	v42 =	vsub.f32 $1.000000000e+00, v42;
	v22 =	vmul.f32 v36, v31;
	v19 =	vmul.f32 v37, v34  }
0x1cd: {  	[tilespmem:s26+$0x10800] =	vst v21;
	v31 =	vmul.f32 v46, v15;
	v32 =	vmul.f32 v49, v15;
	v21 =	vadd.f32 v24, v20;
	v24 =	vpop (erf)  }
0x1ce: {  	s24 =	sadd.s32 $0x1, s24;
	s29 =	simm.s32 $0x2;
	v28 =	vsub.f32 $1.000000000e+00, v43;
	v23 =	vadd.f32 v29, v25;
	v20 =	vmul.f32 v48, v15;
	v25 =	vpop (erf)  }
0x1cf: {  	s30 =	simm.s32 $0x3;
	s3 =	simm.s32 $0x100;
	[tilespmem:s26+$0x10980] =	vst v26;
	s0 =	simm.s32 $0x20;
	v26 =	vadd.f32 v31, v22;
	v31 =	vmul.f32 v42, v39;
	v27 =	vsub.f32 $1.000000000e+00, v47;
	v29 =	vpop (erf)  }
.LBB2_11:
0x1d0: {  	p0 =	sne.s32 s30, $0x7F;
	s4 =	sand.u32 $0x70, s0;
	s2 =	sand.u32 $0xFFFFFC00, s3;
	v33 =	vadd.f32 v20, v19;
	v19 =	vmul.f32 v28, v30;
	v18 =	vmul.f32 v18, v15;
	v28 =	vpop (erf)  }
0x1d1: {  	v17 =	vmul.f32 v27, v17;
	v15 =	vmul.f32 v16, v15;
	s2 =	sor.u32 s4, s2;
	v30 =	vadd.f32 v32, v31;
	v16 =	vpop (erf)  }
0x1d2: {  	v20 =	vmul.f32 v0, v14;
	v27 =	vmul.f32 v1, v14;
	v22 =	vld [tilespmem:s2+$0x8B80];
	v18 =	vadd.f32 v18, v19;
	v31 =	vpop (erf)  }
0x1d3: {  	v34 =	vmul.f32 v5, v14;
	v19 =	vmul.f32 v2, v14;
	v15 =	vadd.f32 v15, v17;
	v32 =	vld [tilespmem:s2+$0x8800];
	v35 =	vpop (erf)  }
0x1d4: {  	v38 =	vmul.f32 v6, v14;
	v37 =	vadd.f32 v20, v13;
	v20 =	vmul.f32 v4, v14;
	v36 =	vld [tilespmem:s2+$0x8880]  }
0x1d5: {  	v27 =	vadd.f32 v27, v13;
	v14 =	vmul.f32 v3, v14;
	v40 =	vadd.f32 v19, v13;
	v39 =	vld [tilespmem:s2+$0x8900]  }
0x1d6: {  	v17 =	vmul.f32 v24, v21;
	v34 =	vadd.f32 v34, v13;
	v42 =	vadd.f32 v20, v13;
	v41 =	vld [tilespmem:s2+$0x8980]  }
0x1d7: {  	v38 =	vadd.f32 v38, v13;
	v19 =	vmul.f32 v25, v23;
	v43 =	vld [tilespmem:s2+$0x8A00];
	v21 =	vsub.f32 $0.0e+00, v22  }
0x1d8: {  	v20 =	vmul.f32 v29, v26;
	v13 =	vadd.f32 v14, v13;
	v23 =	vsub.f32 $0.0e+00, v32;
	v44 =	vld [tilespmem:s2+$0x8A80]  }
0x1d9: {  	v14 =	vsub.f32 $0.0e+00, v36;
	v29 =	vld [tilespmem:s2+$0x8B00];
	v24 =	vmul.f32 $1.442695020e+00, v21;
	v21 =	vmul.f32 v28, v33  }
0x1da: {  	v16 =	vmul.f32 v16, v30;
	v23 =	vmul.f32 $1.442695020e+00, v23;
	v25 =	vsub.f32 $0.0e+00, v39  }
0x1db: {  	v14 =	vmul.f32 $1.442695020e+00, v14;
	v26 =	vsub.f32 $0.0e+00, v41;
	(erf) = vpow2.f32 v24  }
0x1dc: {  	v24 =	vmul.f32 $1.442695020e+00, v25;
	v25 =	vsub.f32 $0.0e+00, v43;
	(erf) = vpow2.f32 v23  }
0x1dd: {  	v23 =	vmul.f32 $1.442695020e+00, v26;
	v26 =	vsub.f32 $0.0e+00, v44;
	(erf) = vpow2.f32 v14  }
0x1de: {  	v14 =	vmul.f32 $1.442695020e+00, v25;
	v25 =	vsub.f32 $0.0e+00, v29;
	(erf) = vpow2.f32 v24  }
0x1df: {  	v12 =	vadd.f32 v7, v12;
	v7 =	vmovc v16;
	v24 =	vmul.f32 $1.442695020e+00, v26;
	(erf) = vpow2.f32 v23  }
0x1e0: {  	v10 =	vadd.f32 v8, v10;
	v16 =	vmul.f32 $1.442695020e+00, v25;
	(erf) = vpow2.f32 v14  }
0x1e1: {  	v11 =	vadd.f32 v9, v11;
	v8 =	vmul.f32 v31, v18;
	(erf) = vpow2.f32 v24;
	[tilespmem:s26+$0x10A00] =	vst v12  }
0x1e2: {  	v9 =	vmul.f32 v35, v15;
	(erf) = vpow2.f32 v16;
	[tilespmem:s26+$0x10A80] =	vst v10  }
0x1e3: {  	v25 =	vmul.f32 v37, v0;
	v0 =	vmovc v32;
	v24 =	vmul.f32 v27, v1;
	v1 =	vmov v36;
	[tilespmem:s26+$0x10B00] =	vst v11;
	s26 =	smov.u32 s28;
	s28 =	smov.u32 s2  }
0x1e4: {  	v26 =	vmul.f32 v40, v2;
	v23 =	vmul.f32 v34, v5;
	v2 =	vmov v39;
	v10 =	vpop (erf)  }
0x1e5: {  	v12 =	vmul.f32 v42, v4;
	v5 =	vmin.f32 v10, $1.000000000e+09;
	v11 =	vpop (erf);
	v10 =	vmul.f32 v38, v6  }
0x1e6: {  	v4 =	vmin.f32 v11, $1.000000000e+09;
	v27 =	vmul.f32 v5, v5;
	v6 =	vpop (erf);
	v11 =	vmul.f32 v13, v3  }
0x1e7: {  	v28 =	vmul.f32 v4, v4;
	v30 =	vadd.f32 $1.000000000e+00, v4;
	v31 =	vmin.f32 v6, $1.000000000e+09;
	v3 =	vpop (erf)  }
0x1e8: {  	s2 =	sshll.u32 s29, $0x6;
	s29 =	smov.u32 s30;
	v33 =	vadd.f32 $1.000000000e+00, v5;
	v32 =	vmin.f32 v3, $1.000000000e+09;
	v34 =	vadd.f32 $1.000000000e+00, v27;
	v3 =	vpop (erf)  }
0x1e9: {  	s2 =	sand.u32 $0x3FFFFE00, s2;
	v35 =	vmul.f32 v31, v31;
	v36 =	vmul.f32 v32, v32;
	v37 =	vmin.f32 v3, $1.000000000e+09;
	v3 =	vpop (erf)  }
0x1ea: {  	s2 =	sor.u32 s4, s2;
	v38 =	vmul.f32 v37, v37;
	v39 =	vmin.f32 v3, $1.000000000e+09;
	v13 =	vmul.f32 v34, v33;
	v4 =	vpop (erf)  }
0x1eb: {  	v42 =	vadd.f32 $1.000000000e+00, v28;
	v40 =	vld [tilespmem:s2+$0x2880];
	v45 =	vmul.f32 v39, v39;
	v46 =	vmin.f32 v4, $1.000000000e+09;
	v4 =	vpop (erf)  }
0x1ec: {  	v5 =	vmovc v41;
	v14 =	vld [tilespmem:s2+$0x2900];
	v47 =	vmul.f32 v46, v46;
	v48 =	vmin.f32 v4, $1.000000000e+09;
	(erf) = vrcp.f32 v13;
	v4 =	vmovc v43  }
0x1ed: {  	v6 =	vmovc v44;
	v41 =	vadd.f32 $1.000000000e+00, v35;
	v3 =	vmovc v29;
	v43 =	vadd.f32 $1.000000000e+00, v36;
	v15 =	vld [tilespmem:s2+$0x2980];
	v49 =	vmul.f32 v48, v48  }
0x1ee: {  	v29 =	vmul.f32 v42, v30;
	v44 =	vadd.f32 $1.000000000e+00, v38;
	v50 =	vadd.f32 $1.000000000e+00, v45  }
0x1ef: {  	v18 =	vadd.f32 $1.000000000e+00, v47;
	v13 =	vld [tilespmem:s2+$0x2800];
	v16 =	vadd.f32 $1.000000000e+00, v49  }
0x1f0: {  	v31 =	vadd.f32 $1.000000000e+00, v31;
	v27 =	vsub.f32 $1.000000000e+00, v27;
	v33 =	vmul.f32 v33, v40  }
0x1f1: {  	v32 =	vadd.f32 $1.000000000e+00, v32;
	v37 =	vadd.f32 $1.000000000e+00, v37;
	v51 =	vmul.f32 v22, v14  }
0x1f2: {  	v39 =	vadd.f32 $1.000000000e+00, v39;
	v27 =	vmul.f32 v27, v33;
	v33 =	vmul.f32 v34, v15  }
0x1f3: {  	v46 =	vadd.f32 $1.000000000e+00, v46;
	v48 =	vadd.f32 $1.000000000e+00, v48;
	v34 =	vmul.f32 v41, v31  }
0x1f4: {  	v52 =	vmul.f32 v43, v32;
	v27 =	vadd.f32 v33, v27;
	v33 =	vadd.f32 v51, v13  }
0x1f5: {  	v53 =	vmul.f32 v44, v37;
	v54 =	vmul.f32 v50, v39;
	v51 =	vsub.f32 $1.000000000e+00, v28;
	v28 =	vpop (erf)  }
0x1f6: {  	v35 =	vsub.f32 $1.000000000e+00, v35;
	v22 =	vmul.f32 v33, v22;
	v27 =	vmul.f32 v28, v27  }
0x1f7: {  	v55 =	vmul.f32 v16, v48;
	v33 =	vsub.f32 $1.000000000e+00, v36;
	v36 =	vmul.f32 v18, v46  }
0x1f8: {  	v56 =	vmul.f32 v30, v40;
	v22 =	vadd.f32 v27, v22;
	(erf) = vrcp.f32 v29  }
0x1f9: {  	v29 =	vmul.f32 v31, v40;
	v31 =	vsub.f32 $1.000000000e+00, v38;
	(erf) = vrcp.f32 v34  }
0x1fa: {  	v32 =	vmul.f32 v32, v40;
	v34 =	vsub.f32 $1.000000000e+00, v45;
	[tilespmem:s28+$0x10B80] =	vst v22;
	(erf) = vrcp.f32 v52  }
0x1fb: {  	v28 =	vsub.f32 $1.000000000e+00, v47;
	v22 =	vmul.f32 v37, v40;
	(erf) = vrcp.f32 v53  }
0x1fc: {  	v27 =	vsub.f32 $1.000000000e+00, v49;
	v37 =	vmul.f32 v39, v40;
	(erf) = vrcp.f32 v54  }
0x1fd: {  	v25 =	vadd.f32 v17, v25;
	v30 =	vmul.f32 v46, v40;
	(erf) = vrcp.f32 v36  }
0x1fe: {  	v19 =	vadd.f32 v19, v24;
	v17 =	vmul.f32 v48, v40;
	(erf) = vrcp.f32 v55  }
.Ltmp5:
0x1ff: {  	v20 =	vadd.f32 v20, v26;
	v38 =	vmul.f32 v51, v56;
	v36 =	vmul.f32 v42, v15;
	[tilespmem:s26+$0x10800] =	vst v25;
	(pc) =	sbr.rel @p0 .LBB2_11-.Ltmp5, $4  }
0x200: {  	v26 =	vmul.f32 v41, v15;
	v35 =	vmul.f32 v35, v29;
	v39 =	vadd.f32 v21, v23;
	[tilespmem:s26+$0x10880] =	vst v19  }
0x201: {  	v32 =	vmul.f32 v33, v32;
	v33 =	vmul.f32 v43, v15;
	v21 =	vadd.f32 v36, v38;
	v24 =	vpop (erf);
	[tilespmem:s26+$0x10900] =	vst v20  }
0x202: {  	v23 =	vadd.f32 v26, v35;
	v19 =	vmul.f32 v31, v22;
	v20 =	vmul.f32 v44, v15;
	v25 =	vpop (erf);
	[tilespmem:s26+$0x10980] =	vst v39  }
0x203: {  	s0 =	sadd.s32 $0x10, s0;
	s30 =	sadd.s32 $0x1, s30;
	s3 =	sshll.u32 s29, $0x7;
	v26 =	vadd.f32 v33, v32;
	v32 =	vmul.f32 v50, v15;
	v31 =	vmul.f32 v34, v37;
	v29 =	vpop (erf)  }
0x204: {  	v28 =	vmul.f32 v28, v30;
	v18 =	vmul.f32 v18, v15  }
0x205: {  	v17 =	vmul.f32 v27, v17;
	v40 =	vmul.f32 v16, v15  }
0x206: {  	v41 =	vmul.f32 v0, v14;
	v42 =	vmul.f32 v1, v14  }
0x207: {  	s2 =	sand.u32 $0x70, s0;
	s4 =	sand.u32 $0xFFFFFC00, s3;
	v62 =	vadd.f32 v20, v19;
	v43 =	vmul.f32 v2, v14;
	v33 =	vmul.f32 v5, v14  }
0x208: {  	v36 =	vmul.f32 v4, v14;
	v37 =	vmul.f32 v6, v14;
	v27 =	vadd.f32 v7, v12;
	s0 =	sor.u32 s2, s4  }
0x209: {  	v45 =	vmul.f32 v3, v14;
	v8 =	vadd.f32 v8, v10;
	v9 =	vadd.f32 v9, v11;
	v22 =	vld [tilespmem:s0+$0x8B80]  }
0x20a: {  	v21 =	vmul.f32 v24, v21;
	v54 =	vpop (erf);
	v63 =	vadd.f32 v32, v31;
	v19 =	vld [tilespmem:s0+$0x8800];
	v28 =	vadd.f32 v18, v28  }
0x20b: {  	v23 =	vmul.f32 v25, v23;
	v55 =	vpop (erf);
	v34 =	vadd.f32 v40, v17;
	v31 =	vadd.f32 v41, v13  }
0x20c: {  	v24 =	vmul.f32 v29, v26;
	v20 =	vld [tilespmem:s0+$0x8880];
	v32 =	vadd.f32 v42, v13;
	v38 =	vadd.f32 v43, v13;
	v56 =	vpop (erf)  }
0x20d: {  	v16 =	vld [tilespmem:s0+$0x8900];
	v33 =	vadd.f32 v33, v13;
	v36 =	vadd.f32 v36, v13;
	v26 =	vmul.f32 v54, v62;
	v57 =	vpop (erf)  }
0x20e: {  	v17 =	vld [tilespmem:s0+$0x8980];
	v12 =	vmul.f32 v56, v28;
	v7 =	vmul.f32 v57, v34;
	v35 =	vsub.f32 $0.0e+00, v22  }
0x20f: {  	v15 =	vld [tilespmem:s0+$0x8A00];
	v10 =	vmul.f32 v31, v0;
	v11 =	vmul.f32 v32, v1;
	v46 =	vsub.f32 $0.0e+00, v19  }
0x210: {  	v37 =	vadd.f32 v37, v13;
	v2 =	vmul.f32 v38, v2;
	v44 =	vmul.f32 $1.442695020e+00, v35  }
0x211: {  	v5 =	vmul.f32 v33, v5;
	v39 =	vsub.f32 $0.0e+00, v20;
	v47 =	vmul.f32 $1.442695020e+00, v46  }
0x212: {  	v14 =	vld [tilespmem:s0+$0x8A80];
	v1 =	vmul.f32 v36, v4;
	v40 =	vsub.f32 $0.0e+00, v16;
	(erf) = vpow2.f32 v44  }
0x213: {  	v18 =	vld [tilespmem:s0+$0x8B00];
	v49 =	vsub.f32 $0.0e+00, v17;
	v48 =	vmul.f32 $1.442695020e+00, v39;
	(erf) = vpow2.f32 v47  }
0x214: {  	v0 =	vmul.f32 v37, v6;
	v51 =	vsub.f32 $0.0e+00, v15;
	v50 =	vmul.f32 $1.442695020e+00, v40  }
0x215: {  	s30 =	sshll.u32 s29, $0x6;
	v52 =	vmul.f32 $1.442695020e+00, v49;
	(erf) = vpow2.f32 v48  }
0x216: {  	s3 =	sand.u32 $0x3FFFFE00, s30;
	v40 =	vmul.f32 $1.442695020e+00, v51;
	(erf) = vpow2.f32 v50  }
0x217: {  	s2 =	sor.u32 s2, s3;
	v10 =	vadd.f32 v21, v10;
	v53 =	vsub.f32 $0.0e+00, v14;
	(erf) = vpow2.f32 v52  }
0x218: {  	v11 =	vadd.f32 v23, v11;
	v41 =	vsub.f32 $0.0e+00, v18;
	(erf) = vpow2.f32 v40;
	v40 =	vld [tilespmem:s2+$0x2900]  }
0x219: {  	v2 =	vadd.f32 v24, v2;
	v29 =	vmul.f32 $1.442695020e+00, v53;
	v35 =	vadd.f32 v45, v13  }
0x21a: {  	v5 =	vadd.f32 v26, v5;
	v58 =	vmul.f32 $1.442695020e+00, v41;
	v13 =	vmul.f32 v55, v63;
	v48 =	vld [tilespmem:s2+$0x2800]  }
0x21b: {  	v0 =	vadd.f32 v12, v0;
	v3 =	vmul.f32 v35, v3;
	(erf) = vpow2.f32 v29;
	v59 =	vpop (erf)  }
0x21c: {  	v1 =	vadd.f32 v13, v1;
	(erf) = vpow2.f32 v58;
	v25 =	vmin.f32 v59, $1.000000000e+09;
	v61 =	vpop (erf)  }
0x21d: {  	v52 =	vmul.f32 v22, v40;
	v60 =	vmul.f32 v25, v25;
	v54 =	vmin.f32 v61, $1.000000000e+09  }
0x21e: {  	v62 =	vpop (erf);
	v25 =	vadd.f32 $1.000000000e+00, v25;
	v29 =	vmul.f32 v54, v54;
	v4 =	vadd.f32 $1.000000000e+00, v54  }
0x21f: {  	v37 =	vld [tilespmem:s2+$0x2880];
	v55 =	vpop (erf);
	v30 =	vmin.f32 v62, $1.000000000e+09;
	v62 =	vadd.f32 v52, v48;
	v63 =	vadd.f32 $1.000000000e+00, v60  }
0x220: {  	v41 =	vld [tilespmem:s2+$0x2980];
	v56 =	vpop (erf);
	v6 =	vmin.f32 v55, $1.000000000e+09;
	v34 =	vmul.f32 v30, v30;
	v28 =	vsub.f32 $1.000000000e+00, v60  }
0x221: {  	v30 =	vadd.f32 $1.000000000e+00, v30;
	v38 =	vmul.f32 v6, v6;
	v32 =	vmin.f32 v56, $1.000000000e+09  }
0x222: {  	v42 =	vadd.f32 $1.000000000e+00, v29;
	v6 =	vadd.f32 $1.000000000e+00, v6;
	v22 =	vmul.f32 v62, v22  }
0x223: {  	v58 =	vpop (erf);
	v29 =	vsub.f32 $1.000000000e+00, v29;
	v57 =	vmul.f32 v63, v25;
	v33 =	vmul.f32 v32, v32  }
0x224: {  	v36 =	vmin.f32 v58, $1.000000000e+09;
	v46 =	vadd.f32 $1.000000000e+00, v34;
	v25 =	vmul.f32 v25, v37  }
0x225: {  	v59 =	vpop (erf);
	v60 =	vmul.f32 v63, v41;
	v32 =	vadd.f32 $1.000000000e+00, v32;
	v34 =	vsub.f32 $1.000000000e+00, v34  }
0x226: {  	v39 =	vmin.f32 v59, $1.000000000e+09;
	v43 =	vmul.f32 v36, v36;
	v47 =	vadd.f32 $1.000000000e+00, v38  }
0x227: {  	v61 =	vmul.f32 v42, v4;
	v36 =	vadd.f32 $1.000000000e+00, v36;
	v4 =	vmul.f32 v4, v37  }
0x228: {  	v38 =	vsub.f32 $1.000000000e+00, v38;
	v42 =	vmul.f32 v42, v41;
	(erf) = vrcp.f32 v57  }
0x229: {  	v45 =	vmul.f32 v39, v39;
	v50 =	vadd.f32 $1.000000000e+00, v33;
	v25 =	vmul.f32 v28, v25  }
0x22a: {  	v63 =	vmul.f32 v46, v30;
	v28 =	vadd.f32 $1.000000000e+00, v39;
	v30 =	vmul.f32 v30, v37  }
0x22b: {  	v46 =	vmul.f32 v46, v41;
	v44 =	vpop (erf);
	v51 =	vadd.f32 $1.000000000e+00, v43;
	v57 =	vmul.f32 v47, v6  }
0x22c: {  	v6 =	vmul.f32 v6, v37;
	v4 =	vmul.f32 v29, v4;
	v44 =	vmin.f32 v44, $1.000000000e+09  }
0x22d: {  	v53 =	vadd.f32 $1.000000000e+00, v45;
	v58 =	vmul.f32 v50, v32;
	v32 =	vmul.f32 v32, v37  }
0x22e: {  	v62 =	vsub.f32 $1.000000000e+00, v45;
	v45 =	vmul.f32 v34, v30;
	v34 =	vmul.f32 v17, v40  }
0x22f: {  	v33 =	vsub.f32 $1.000000000e+00, v33;
	v49 =	vmul.f32 v44, v44;
	v59 =	vmul.f32 v51, v36  }
0x230: {  	v43 =	vsub.f32 $1.000000000e+00, v43;
	v36 =	vmul.f32 v36, v37;
	v6 =	vmul.f32 v38, v6  }
0x231: {  	v25 =	vadd.f32 v60, v25;
	v56 =	vmul.f32 v51, v41;
	v38 =	vmul.f32 v14, v40  }
0x232: {  	v39 =	vadd.f32 $1.000000000e+00, v44;
	v55 =	vmul.f32 v43, v36;
	v36 =	vmul.f32 v15, v40  }
0x233: {  	v60 =	vmul.f32 v53, v28;
	v28 =	vmul.f32 v28, v37;
	v31 =	vadd.f32 $1.000000000e+00, v49  }
0x234: {  	v52 =	vmul.f32 v33, v32;
	v33 =	vmul.f32 v16, v40;
	v43 =	vadd.f32 v36, v48  }
0x235: {  	v4 =	vadd.f32 v42, v4;
	v54 =	vpop (erf);
	(erf) = vrcp.f32 v61;
	v61 =	vmul.f32 v31, v39  }
0x236: {  	[tilespmem:s28+$0x10900] =	vst v2;
	v24 =	vadd.f32 v46, v45;
	v39 =	vmul.f32 v39, v37;
	v2 =	vmul.f32 v43, v15  }
0x237: {  	v42 =	vadd.f32 v34, v48;
	v25 =	vmul.f32 v54, v25;
	(erf) = vrcp.f32 v63  }
0x238: {  	v63 =	vsub.f32 $1.000000000e+00, v49;
	v49 =	vmul.f32 v47, v41;
	(erf) = vrcp.f32 v57  }
0x239: {  	v45 =	vadd.f32 v38, v48;
	v54 =	vmul.f32 v50, v41;
	(erf) = vrcp.f32 v58  }
0x23a: {  	[tilespmem:s26+$0x10A00] =	vst v27;
	v26 =	vadd.f32 v33, v48;
	v57 =	vmul.f32 v62, v28;
	(erf) = vrcp.f32 v59  }
0x23b: {  	[tilespmem:s26+$0x10A80] =	vst v8;
	v47 =	vadd.f32 v7, v3;
	v62 =	vmul.f32 v20, v40;
	(erf) = vrcp.f32 v60  }
0x23c: {  	[tilespmem:s26+$0x10B00] =	vst v9;
	v22 =	vadd.f32 v25, v22;
	(erf) = vrcp.f32 v61;
	v61 =	vmul.f32 v19, v40  }
0x23d: {  	[tilespmem:s28+$0x10800] =	vst v10;
	v58 =	vmul.f32 v53, v41;
	v23 =	vadd.f32 v54, v52;
	v21 =	vmul.f32 v63, v39  }
0x23e: {  	[tilespmem:s28+$0x10880] =	vst v11;
	v52 =	vmul.f32 v26, v16;
	v54 =	vmul.f32 v42, v17;
	v35 =	vadd.f32 v61, v48  }
0x23f: {  	[tilespmem:s28+$0x10980] =	vst v5;
	v59 =	vmul.f32 v31, v41;
	v29 =	vadd.f32 v62, v48;
	v41 =	vmul.f32 v18, v40;
	v37 =	vpop (erf)  }
0x240: {  	[tilespmem:s28+$0x10A80] =	vst v0;
	v6 =	vadd.f32 v49, v6;
	v39 =	vpop (erf);
	v4 =	vmul.f32 v37, v4;
	v46 =	vmul.f32 v35, v19  }
0x241: {  	[tilespmem:s28+$0x10A00] =	vst v1;
	v60 =	vadd.f32 v56, v55;
	v49 =	vmul.f32 v29, v20;
	v11 =	vmul.f32 v39, v24;
	v44 =	vpop (erf)  }
0x242: {  	[tilespmem:s28+$0x10B00] =	vst v47;
	v63 =	vadd.f32 v58, v57;
	v5 =	vmul.f32 v44, v6;
	v50 =	vpop (erf);
	v4 =	vadd.f32 v4, v46  }
0x243: {  	[tilespmem:s0+$0x10B80] =	vst v22;
	v21 =	vadd.f32 v59, v21;
	v53 =	vpop (erf);
	v6 =	vmul.f32 v50, v23;
	v3 =	vadd.f32 v11, v49  }
0x244: {  	v51 =	vadd.f32 v41, v48;
	v55 =	vpop (erf);
	v8 =	vmul.f32 v53, v60;
	[tilespmem:s0+$0x10800] =	vst v4;
	v0 =	vadd.f32 v5, v52  }
0x245: {  	v58 =	vmul.f32 v45, v14;
	v56 =	vpop (erf);
	v57 =	vmul.f32 v55, v63;
	[tilespmem:s0+$0x10880] =	vst v3;
	v1 =	vadd.f32 v6, v54  }
0x246: {  	p0 =	sne.s32 s24, $0x10;
	v60 =	vmul.f32 v51, v18;
	v59 =	vmul.f32 v56, v21;
	[tilespmem:s0+$0x10900] =	vst v0;
	v61 =	vadd.f32 v8, v2  }
.Ltmp6:
0x247: {  	[tilespmem:s0+$0x10980] =	vst v1;
	v62 =	vadd.f32 v57, v58;
	(pc) =	sbr.rel @p0 .LBB2_4-.Ltmp6, $4  }
0x248: {  	[tilespmem:s0+$0x10A00] =	vst v61;
	v63 =	vadd.f32 v59, v60  }
0x249: {  	[tilespmem:s0+$0x10A80] =	vst v62  }
0x24a: {  	s31 =	sadd.s32 s5, s25;
	[tilespmem:s0+$0x10B00] =	vst v63  }
0x24b: {  	[hbm4b:s31+s6] =	stream.linear.scatter [tilespmem:s20], [sflag:$0x4], $0x4000, $0x38;
	[tilespmem:$0x14800] =	vst v63  }
0x24c: {  	s22 =	sadd.s32 $0x1, s22  }
0x24d: {  	_ =	swait.ge [sflag:s21], $0x4000;
	p0 =	sne.s32 s22, s11  }
.Ltmp7:
0x24e: {  	[sflag:s21] =	ssyncset.done $0x0;
	(pc) =	sbr.rel @p0 .LBB2_1-.Ltmp7, $4  }
0x24f: {  	[sflag:s21] =	ssyncadd.s32 $0xFFFFC000  }
0x250: {  	_ =	swait.ge [sflag:s19], $0x4000  }
0x251: {  	[sflag:s19] =	ssyncset.done $0x0  }
0x252: {  	[sflag:s19] =	ssyncadd.s32 $0xFFFFC000  }
0x253: {  	_ =	sfence.sel $0x180000  }
0x254: {  	[bflag:$0x0] =	sbarrier.arrive $0xFFFF  }
0x255: {  	_ =	strace $0x90000047  }
0x256: {  	s0 =	stileid.u32;
	[bflag:$0x2] =	sbarrier.arrive $0xFFFF  }
0x257: {  	p0 =	sne.s32 s0, $0x0;
	s0 =	rddreg [dreg:$0x4]  }
0x258: {  	s0 =	sadd.s32 @!p0 $0x100000, s0  }
0x259: {  	[sflag:s0] =	ssyncadd.tile.s32 @!p0 $0x1;
	_ =	shalt  }
.Lfunc_end2:
_tile_overlayer_lowered:
.L_overlay_start_2:
0x25a: {  	(tag) =	ssettag $0x2  }
0x25b: {  	s0 =	rddreg [dreg:$0x0];
	s2 =	stileid.u32  }
0x25c: {  	s1 =	rddreg [dreg:$0x1];
	p0 =	sne.s32 s2, $0x0  }
0x25d: {  	s3 =	rddreg [dreg:$0x2];
	[bflag:$0x3] =	sbarrier.arrive $0xFFFF;
	s2 =	simm.s32 @!p0 $0x1C05  }
0x25e: {  	[timem:s3], [sflag:s2] =	dma.local @!p0 [hbm:s0], s1  }
0x25f: {  	s0 =	simm.s32 @!p0 $0x5  }
0x260: {  	_ =	swait.ge @!p0 [sflag:s0], s1  }
0x261: {  	s1 =	ssub.s32 @!p0 $0x0, s1;
	[sflag:s0] =	ssyncset.done @!p0 $0x0  }
0x262: {  	[sflag:s0] =	ssyncadd.s32 @!p0 s1  }
0x263: {  	[bflag:$0x3] =	sbarrier.arrive $0xFFFF  }
0x264: {  	_ =	shalt  }

</sc_bundles>
